<compile_context>
chip_gen: v7x
topology: tpu7x:2x2x1
jax: 0.10.2.dev20260603
libtpu: 0.0.44.dev20260713+nightly
codegen_flags: <defaults>
</compile_context>

<pallas_src>
import functools

import jax
import jax.numpy as jnp
from jax import lax
from jax.experimental import pallas as pl
from jax.experimental.pallas import tpu as pltpu
from jax.experimental.pallas import tpu_sc as plsc

N = 10000
E = 320000
D = 128

NW = 32
EPW = E // NW
CH = 80
NCH = EPW // CH
NPAD = 10240
SEG = NPAD // 16

ROWB = 1000

_mesh = plsc.VectorSubcoreMesh(core_axis_name="c", subcore_axis_name="s")
_sc_params = pltpu.CompilerParams(needs_layout_passes=False,
                                  use_tc_tiling_on_sc=False)


def _dense_in_body(x_ref, ws_ref, wd_ref, asv_ref, adv_ref,
                   h_ref, as_ref, ad_ref, m_ref, ms_ref, acc):
    i = pl.program_id(0)
    h = jnp.dot(x_ref[...], ws_ref[...], preferred_element_type=jnp.float32)
    h_ref[0] = h[:, :64]
    h_ref[1] = h[:, 64:]
    a_s = jnp.dot(h, asv_ref[...], preferred_element_type=jnp.float32)
    as_ref[...] = a_s
    v_d = jnp.dot(wd_ref[...], adv_ref[...], preferred_element_type=jnp.float32)
    a_d = jnp.dot(x_ref[...], v_d, preferred_element_type=jnp.float32)
    ad_ref[...] = a_d
    bs = jnp.max(a_s)
    bd = jnp.max(a_d)

    @pl.when(i == 0)
    def _():
        acc[0] = bs
        acc[1] = bd

    @pl.when(i > 0)
    def _():
        acc[0] = jnp.maximum(acc[0], bs)
        acc[1] = jnp.maximum(acc[1], bd)

    @pl.when(i == pl.num_programs(0) - 1)
    def _():
        m = acc[0] + acc[1]
        m = jnp.where(m >= 0.0, m, m * 0.2)
        m_ref[...] = jnp.full((8, 128), m, jnp.float32)
        ms_ref[...] = jnp.full((8, 128), acc[0], jnp.float32)


_dense_in = pl.pallas_call(
    _dense_in_body,
    grid=(N // ROWB,),
    in_specs=[
        pl.BlockSpec((ROWB, D), lambda i: (i, 0)),
        pl.BlockSpec((D, D), lambda i: (0, 0)),
        pl.BlockSpec((D, D), lambda i: (0, 0)),
        pl.BlockSpec((D, 1), lambda i: (0, 0)),
        pl.BlockSpec((D, 1), lambda i: (0, 0)),
    ],
    out_specs=[
        pl.BlockSpec((2, ROWB, D // 2), lambda i: (0, i, 0)),
        pl.BlockSpec((ROWB, 1), lambda i: (i, 0)),
        pl.BlockSpec((ROWB, 1), lambda i: (i, 0)),
        pl.BlockSpec((8, 128), lambda i: (0, 0)),
        pl.BlockSpec((8, 128), lambda i: (0, 0)),
    ],
    out_shape=[
        jax.ShapeDtypeStruct((2, N, D // 2), jnp.float32),
        jax.ShapeDtypeStruct((N, 1), jnp.float32),
        jax.ShapeDtypeStruct((N, 1), jnp.float32),
        jax.ShapeDtypeStruct((8, 128), jnp.float32),
        jax.ShapeDtypeStruct((8, 128), jnp.float32),
    ],
    scratch_shapes=[pltpu.SMEM((2,), jnp.float32)],
)


DH = D // 2


def _scale_body(h_ref, as_ref, ms_ref, g_ref):
    ms = ms_ref[0, 0]
    a = as_ref[...]
    f_p = jnp.exp(a - ms)
    f_n = jnp.exp(0.2 * (a - ms))
    for c in range(2):
        g_ref[c, 0] = h_ref[c] * f_p
        g_ref[c, 1] = h_ref[c] * f_n


_scale = pl.pallas_call(
    _scale_body,
    grid=(N // ROWB,),
    in_specs=[
        pl.BlockSpec((2, ROWB, DH), lambda i: (0, i, 0)),
        pl.BlockSpec((ROWB, 1), lambda i: (i, 0)),
        pl.BlockSpec((8, 128), lambda i: (0, 0)),
    ],
    out_specs=pl.BlockSpec((2, 2, ROWB, DH), lambda i: (0, 0, i, 0)),
    out_shape=jax.ShapeDtypeStruct((2, 2, N, DH), jnp.float32),
)


@functools.partial(
    pl.kernel,
    mesh=_mesh,
    out_type=[
        jax.ShapeDtypeStruct((2, NPAD), jnp.float32),
        jax.ShapeDtypeStruct((NW, NCH, CH), jnp.int32),
        jax.ShapeDtypeStruct((NW, NCH, CH), jnp.int32),
    ],
    scratch_types=[
        pltpu.VMEM((N,), jnp.float32),
        pltpu.VMEM((N,), jnp.float32),
        pltpu.VMEM((NCH, CH), jnp.int32),
        pltpu.VMEM((NCH, CH), jnp.int32),
        pltpu.VMEM((NCH, CH), jnp.float32),
        pltpu.VMEM((NCH, CH), jnp.int32),
        pltpu.VMEM((NCH, CH), jnp.int32),
        pltpu.VMEM((16,), jnp.float32),
        pltpu.VMEM((SEG,), jnp.float32),
        pltpu.VMEM_SHARED((NPAD,), jnp.float32),
    ],
    compiler_params=_sc_params,
)
def _edge_pass_a(a_src_hbm, a_dst_hbm, edge_hbm, m_hbm,
                 dpart_hbm, src2_hbm, dst2_hbm,
                 a_src_t, a_dst_t, src_t, dst_t, ex_t, src2_t, dst2_t,
                 m_t, z_t, denom_sh):
    c = lax.axis_index("c")
    s = lax.axis_index("s")
    wid = c * 16 + s

    pltpu.sync_copy(a_src_hbm, a_src_t)
    pltpu.sync_copy(a_dst_hbm, a_dst_t)
    pltpu.sync_copy(edge_hbm.at[0, wid], src_t)
    pltpu.sync_copy(edge_hbm.at[1, wid], dst_t)
    pltpu.sync_copy(m_hbm, m_t)

    def zinit(i, _):
        z_t[pl.ds(i * 16, 16)] = jnp.zeros((16,), jnp.float32)
        return 0
    lax.fori_loop(0, SEG // 16, zinit, 0)
    pltpu.sync_copy(z_t, denom_sh.at[pl.ds(s * SEG, SEG)])
    plsc.subcore_barrier()

    m_v = m_t[...]

    def chunk(j, _):
        for k in range(CH // 16):
            sl = pl.ds(k * 16, 16)
            sv = src_t[j, sl]
            dv = dst_t[j, sl]
            av = plsc.load_gather(a_src_t, [sv])
            bv = plsc.load_gather(a_dst_t, [dv])
            e = av + bv
            neg = e < 0.0
            src2_t[j, sl] = jnp.where(neg, sv + N, sv)
            dst2_t[j, sl] = jnp.where(neg, dv + N, dv)
            el = jnp.where(neg, e * 0.2, e)
            ex_t[j, sl] = jnp.exp(el - m_v)
        pltpu.sync_copy(ex_t.at[j], denom_sh.at[dst_t.at[j]], add=True)
        return 0
    lax.fori_loop(0, NCH, chunk, 0)

    pltpu.sync_copy(src2_t, src2_hbm.at[wid])
    pltpu.sync_copy(dst2_t, dst2_hbm.at[wid])
    plsc.subcore_barrier()
    pltpu.sync_copy(denom_sh.at[pl.ds(s * SEG, SEG)],
                    dpart_hbm.at[c, pl.ds(s * SEG, SEG)])


NCH3 = (E // CH) // 16
NACC = 2 * N
WSEG = NACC // 16
WB = 50


@functools.partial(
    pl.kernel,
    mesh=_mesh,
    out_type=jax.ShapeDtypeStruct((2, NACC, DH), jnp.float32),
    scratch_types=[
        pltpu.VMEM((NCH3, CH), jnp.int32),
        pltpu.VMEM((2, CH), jnp.int32),
        pltpu.VMEM((CH, DH), jnp.float32),
        pltpu.VMEM((CH, DH), jnp.float32),
        pltpu.VMEM_SHARED((NACC, DH), jnp.float32),
        pltpu.SemaphoreType.DMA,
        pltpu.SemaphoreType.DMA,
        pltpu.SemaphoreType.DMA,
        pltpu.SemaphoreType.DMA,
    ],
    compiler_params=_sc_params,
)
def _edge_pass_b(g_hbm, src2_hbm, dst2_hbm,
                 out_hbm,
                 src_t, d2_t, g0_t, g1_t, out_sh,
                 gsem0, gsem1, dsem0, dsem1):
    c = lax.axis_index("c")
    s = lax.axis_index("s")

    pltpu.sync_copy(src2_hbm.at[s], src_t)

    def zrow(i, _):
        for q in range(DH // 16):
            g0_t[i, pl.ds(q * 16, 16)] = jnp.zeros((16,), jnp.float32)
        return 0
    lax.fori_loop(0, CH, zrow, 0)

    def zseg(b, _):
        pltpu.sync_copy(g0_t.at[pl.ds(0, WB)],
                        out_sh.at[pl.ds(s * WSEG + b * WB, WB)])
        return 0
    lax.fori_loop(0, WSEG // WB, zseg, 0)

    plsc.subcore_barrier()

    gbufs = (g0_t, g1_t)
    gsems = (gsem0, gsem1)
    dsems = (dsem0, dsem1)

    for b in range(2):
        pltpu.async_copy(g_hbm.at[c].at[src_t.at[b]], gbufs[b], gsems[b])
        pltpu.async_copy(dst2_hbm.at[s, b], d2_t.at[b], dsems[b])

    def main(i, _):
        for b in range(2):
            j = i * 2 + b
            pltpu.make_async_copy(
                g_hbm.at[c].at[src_t.at[j]], gbufs[b], gsems[b]).wait()
            pltpu.make_async_copy(
                dst2_hbm.at[s, j], d2_t.at[b], dsems[b]).wait()
            pltpu.sync_copy(gbufs[b], out_sh.at[d2_t.at[b]], add=True)
            pltpu.async_copy(
                g_hbm.at[c].at[src_t.at[j + 2]], gbufs[b], gsems[b])
            pltpu.async_copy(dst2_hbm.at[s, j + 2], d2_t.at[b], dsems[b])
        return 0
    lax.fori_loop(0, NCH3 // 2 - 1, main, 0)

    for b in range(2):
        j = NCH3 - 2 + b
        pltpu.make_async_copy(
            g_hbm.at[c].at[src_t.at[j]], gbufs[b], gsems[b]).wait()
        pltpu.make_async_copy(
            dst2_hbm.at[s, j], d2_t.at[b], dsems[b]).wait()
        pltpu.sync_copy(gbufs[b], out_sh.at[d2_t.at[b]], add=True)

    plsc.subcore_barrier()

    def wb(b, _):
        r0 = s * WSEG + b * WB
        pltpu.sync_copy(out_sh.at[pl.ds(r0, WB)], out_hbm.at[c, pl.ds(r0, WB)])
        return 0
    lax.fori_loop(0, WSEG // WB, wb, 0)


def _dense_out_body(pa_ref, na_ref, pb_ref, nb_ref, ad_ref, m_ref, ms_ref,
                    d0_ref, d1_ref, bc_ref, wl_ref, bl_ref, y_ref):
    m = m_ref[0, 0]
    ms = ms_ref[0, 0]
    a = ad_ref[...]
    f_p = jnp.exp(a - (m - ms))
    f_n = jnp.exp(0.2 * a - (m - 0.2 * ms))
    inv = 1.0 / (d0_ref[0] + d1_ref[0] + 1e-16)
    oa = jnp.maximum((pa_ref[0] * f_p + na_ref[0] * f_n) * inv
                     + bc_ref[:, :DH], 0.0)
    ob = jnp.maximum((pb_ref[0] * f_p + nb_ref[0] * f_n) * inv
                     + bc_ref[:, DH:], 0.0)
    y = jnp.dot(oa, wl_ref[:DH, :], preferred_element_type=jnp.float32)
    y = y + jnp.dot(ob, wl_ref[DH:, :], preferred_element_type=jnp.float32)
    y_ref[...] = y + bl_ref[...]


_dense_out = pl.pallas_call(
    _dense_out_body,
    grid=(N // ROWB,),
    in_specs=[
        pl.BlockSpec((1, ROWB, DH), lambda i: (0, i, 0)),
        pl.BlockSpec((1, ROWB, DH), lambda i: (0, N // ROWB + i, 0)),
        pl.BlockSpec((1, ROWB, DH), lambda i: (1, i, 0)),
        pl.BlockSpec((1, ROWB, DH), lambda i: (1, N // ROWB + i, 0)),
        pl.BlockSpec((ROWB, 1), lambda i: (i, 0)),
        pl.BlockSpec((8, 128), lambda i: (0, 0)),
        pl.BlockSpec((8, 128), lambda i: (0, 0)),
        pl.BlockSpec((1, ROWB, 1), lambda i: (0, i, 0)),
        pl.BlockSpec((1, ROWB, 1), lambda i: (1, i, 0)),
        pl.BlockSpec((1, D), lambda i: (0, 0)),
        pl.BlockSpec((D, D), lambda i: (0, 0)),
        pl.BlockSpec((1, D), lambda i: (0, 0)),
    ],
    out_specs=pl.BlockSpec((ROWB, D), lambda i: (i, 0)),
    out_shape=jax.ShapeDtypeStruct((N, D), jnp.float32),
)


def kernel(x, edge_index, W_src, W_dst, att_src, att_dst, b_conv, W_lin, b_lin):
    h_src, a_src, a_dst, m8, ms8 = _dense_in(
        x, W_src, W_dst, att_src.reshape(D, 1), att_dst.reshape(D, 1))
    g = _scale(h_src, a_src, ms8)
    edge_a = edge_index.reshape(2, NW, NCH, CH)
    m16 = jnp.broadcast_to(m8.reshape(-1)[:1], (16,))
    dpart, src2, dst2 = _edge_pass_a(
        a_src.reshape(N), a_dst.reshape(N), edge_a, m16)
    acc = _edge_pass_b(g.reshape(2, 2 * N, DH),
                       src2.reshape(16, NCH3, CH),
                       dst2.reshape(16, NCH3, CH))
    dp = dpart.reshape(2, NPAD, 1)
    y = _dense_out(acc, acc, acc, acc, a_dst, m8, ms8, dp, dp,
                   b_conv.reshape(1, D), W_lin, b_lin.reshape(1, D))
    return y

# --- scband reference (transcript-rebuilt; emitter-appended) ---
"""Pipeline reference for scband-gatmodel-40862318854872 (READ-ONLY COPY).

The authoritative reference and input builder live on the scoring server;
editing this copy changes nothing except your own understanding.
"""

import jax, jax.numpy as jnp
import numpy as np

N = 10000
E = 320000
D = 128
H = 128
O = 128


def setup_inputs(seed: int = 0) -> dict:
    key = jax.random.key(seed)
    ks = jax.random.split(key, 10)
    x = jax.random.normal(ks[0], (N, D), dtype=jnp.float32)
    edge_index = jax.random.randint(ks[1], (2, E), 0, N, dtype=jnp.int32)
    s = 1.0 / np.sqrt(D)
    sh = 1.0 / np.sqrt(H)
    W_src = jax.random.normal(ks[2], (D, H), dtype=jnp.float32) * s
    W_dst = jax.random.normal(ks[3], (D, H), dtype=jnp.float32) * s
    att_src = jax.random.normal(ks[4], (H,), dtype=jnp.float32) * sh
    att_dst = jax.random.normal(ks[5], (H,), dtype=jnp.float32) * sh
    b_conv = jnp.zeros((H,), dtype=jnp.float32)
    W_lin = jax.random.normal(ks[6], (H, O), dtype=jnp.float32) * sh
    b_lin = jnp.zeros((O,), dtype=jnp.float32)
    return {"x": x, "edge_index": edge_index, "W_src": W_src, "W_dst": W_dst,
            "att_src": att_src, "att_dst": att_dst, "b_conv": b_conv,
            "W_lin": W_lin, "b_lin": b_lin}


def reference(x, edge_index, W_src, W_dst, att_src, att_dst, b_conv, W_lin, b_lin):
    src = edge_index[0]
    dst = edge_index[1]
    # GATConv (single head, bipartite-style lin_src/lin_dst, add_self_loops=False)
    h_src = x @ W_src
    h_dst = x @ W_dst
    a_src = h_src @ att_src  # [N]
    a_dst = h_dst @ att_dst  # [N]
    e = a_src[src] + a_dst[dst]  # [E]
    e = jax.nn.leaky_relu(e, negative_slope=0.2)
    # segment softmax over incoming edges of each dst node
    m = jax.ops.segment_max(e, dst, num_segments=N)
    m = jnp.where(jnp.isfinite(m), m, 0.0)
    ex = jnp.exp(e - m[dst])
    denom = jax.ops.segment_sum(ex, dst, num_segments=N)
    alpha = ex / (denom[dst] + 1e-16)
    msg = h_src[src] * alpha[:, None]
    out = jax.ops.segment_sum(msg, dst, num_segments=N) + b_conv
    out = jax.nn.relu(out)
    y = out @ W_lin + b_lin
    return y

if __name__ == "__main__":
    import jax
    _d = setup_inputs()
    print(jax.jit(kernel)(*tuple(_d.values())))

</pallas_src>

<mosaic_0001>
#map = affine_map<(d0, d1) -> (0, 0, 0)>
module attributes {stable_mosaic.version = 14 : i64} {
  func.func @_edge_pass_b(%arg0: i32, %arg1: i32, %arg2: memref<2x20000x64xf32, #tpu.memory_space<hbm>>, %arg3: memref<16x250x80xi32, #tpu.memory_space<hbm>>, %arg4: memref<16x250x80xi32, #tpu.memory_space<hbm>>, %arg5: memref<2x20000x64xf32, #tpu.memory_space<hbm>>, %arg6: memref<250x80xi32, #tpu.memory_space<vmem>>, %arg7: memref<2x80xi32, #tpu.memory_space<vmem>>, %arg8: memref<80x64xf32, #tpu.memory_space<vmem>>, %arg9: memref<80x64xf32, #tpu.memory_space<vmem>>, %arg10: memref<20000x64xf32, #tpu.memory_space<vmem_shared>>, %arg11: memref<!tpu.dma_semaphore, #tpu.memory_space<semaphore_mem>>, %arg12: memref<!tpu.dma_semaphore, #tpu.memory_space<semaphore_mem>>, %arg13: memref<!tpu.dma_semaphore, #tpu.memory_space<semaphore_mem>>, %arg14: memref<!tpu.dma_semaphore, #tpu.memory_space<semaphore_mem>>) attributes {dimension_semantics = [#tpu.dimension_semantics<core_parallel>, #tpu.dimension_semantics<subcore_parallel>], iteration_bounds = array<i64: 2, 16>, scalar_prefetch = 0 : i64, scratch_operands = 9 : i64, tpu.core_type = #tpu.core_type<sc_vector_subcore>, window_params = [{transform_indices = #map}, {transform_indices = #map}, {transform_indices = #map}, {transform_indices = #map}]} {
    "tpu.region"() ({
      %run_scoped3A_127 = tpu.sem_alloc : memref<!tpu.dma_semaphore, #tpu.memory_space<semaphore_mem>>
      %dma_start3A_128 = arith.constant 0 : i32
      %dma_start3A_129 = arith.constant 0 : i32
      %dma_start3A_130 = tpu.memref_slice %arg3[%arg1, %dma_start3A_128, %dma_start3A_129] : memref<16x250x80xi32, #tpu.memory_space<hbm>> -> memref<1x250x80xi32, #tpu.memory_space<hbm>>
      %dma_start3A_131 = tpu.memref_squeeze %dma_start3A_130 : memref<1x250x80xi32, #tpu.memory_space<hbm>> -> memref<250x80xi32, #tpu.memory_space<hbm>>
      %dma_start3A_132 = arith.constant 0 : i32
      %dma_start3A_133 = arith.constant 0 : i32
      %dma_start3A_134 = tpu.memref_slice %arg3[%arg1, %dma_start3A_132, %dma_start3A_133] : memref<16x250x80xi32, #tpu.memory_space<hbm>> -> memref<1x250x80xi32, #tpu.memory_space<hbm>>
      %dma_start3A_135 = tpu.memref_squeeze %dma_start3A_134 : memref<1x250x80xi32, #tpu.memory_space<hbm>> -> memref<250x80xi32, #tpu.memory_space<hbm>>
      tpu.enqueue_dma source(%dma_start3A_135 : memref<250x80xi32, #tpu.memory_space<hbm>>) target(%arg6 : memref<250x80xi32, #tpu.memory_space<vmem>>) target_semaphore(%run_scoped3A_127 : memref<!tpu.dma_semaphore, #tpu.memory_space<semaphore_mem>>)
      %dma_wait3A_136 = arith.constant 0 : i32
      %dma_wait3A_137 = arith.constant 0 : i32
      %dma_wait3A_138 = tpu.memref_slice %arg3[%arg1, %dma_wait3A_136, %dma_wait3A_137] : memref<16x250x80xi32, #tpu.memory_space<hbm>> -> memref<1x250x80xi32, #tpu.memory_space<hbm>>
      %dma_wait3A_139 = tpu.memref_squeeze %dma_wait3A_138 : memref<1x250x80xi32, #tpu.memory_space<hbm>> -> memref<250x80xi32, #tpu.memory_space<hbm>>
      %dma_wait3A_140 = arith.constant 0 : i32
      %dma_wait3A_141 = arith.constant 0 : i32
      %dma_wait3A_142 = tpu.memref_slice %arg3[%arg1, %dma_wait3A_140, %dma_wait3A_141] : memref<16x250x80xi32, #tpu.memory_space<hbm>> -> memref<1x250x80xi32, #tpu.memory_space<hbm>>
      %dma_wait3A_143 = tpu.memref_squeeze %dma_wait3A_142 : memref<1x250x80xi32, #tpu.memory_space<hbm>> -> memref<250x80xi32, #tpu.memory_space<hbm>>
      tpu.wait_dma2 semaphore(%run_scoped3A_127 : memref<!tpu.dma_semaphore, #tpu.memory_space<semaphore_mem>>) src(%dma_wait3A_143 : memref<250x80xi32, #tpu.memory_space<hbm>>) dst(%arg6 : memref<250x80xi32, #tpu.memory_space<vmem>>)
      tpu.yield
    }) : () -> ()
    %scan3A = arith.constant 0 : i32
    %scan3A_0 = arith.constant 0 : i32
    %scan3A_1 = arith.constant 80 : i32
    %scan3A_2 = arith.addi %scan3A_0, %scan3A_1 : i32
    %scan3A_3 = arith.constant 1 : i32
    %scan3A_4 = scf.for %scan3A_127 = %scan3A_0 to %scan3A_2 step %scan3A_3 iter_args(%scan3A_128 = %scan3A) -> (i32)  : i32 {
      %broadcast_in_dim3A = arith.constant 0.000000e+00 : f32
      %broadcast_in_dim3A_129 = vector.broadcast %broadcast_in_dim3A : f32 to vector<16xf32>
      %swap3A = arith.index_cast %scan3A_127 : i32 to index
      %swap3A_130 = arith.constant 0 : index
      %swap3A_131 = tpu.vector_load %arg8[%swap3A, %swap3A_130] {strides = array<i32>} : memref<80x64xf32, #tpu.memory_space<vmem>>, vector<16xf32>,
      tpu.vector_store %arg8[%swap3A, %swap3A_130], %broadcast_in_dim3A_129 {strides = array<i32>} : memref<80x64xf32, #tpu.memory_space<vmem>>, vector<16xf32>,
      %broadcast_in_dim3A_132 = arith.constant 0.000000e+00 : f32
      %broadcast_in_dim3A_133 = vector.broadcast %broadcast_in_dim3A_132 : f32 to vector<16xf32>
      %swap3A_134 = arith.index_cast %scan3A_127 : i32 to index
      %swap3A_135 = arith.constant 16 : index
      %swap3A_136 = tpu.vector_load %arg8[%swap3A_134, %swap3A_135] {strides = array<i32>} : memref<80x64xf32, #tpu.memory_space<vmem>>, vector<16xf32>,
      tpu.vector_store %arg8[%swap3A_134, %swap3A_135], %broadcast_in_dim3A_133 {strides = array<i32>} : memref<80x64xf32, #tpu.memory_space<vmem>>, vector<16xf32>,
      %broadcast_in_dim3A_137 = arith.constant 0.000000e+00 : f32
      %broadcast_in_dim3A_138 = vector.broadcast %broadcast_in_dim3A_137 : f32 to vector<16xf32>
      %swap3A_139 = arith.index_cast %scan3A_127 : i32 to index
      %swap3A_140 = arith.constant 32 : index
      %swap3A_141 = tpu.vector_load %arg8[%swap3A_139, %swap3A_140] {strides = array<i32>} : memref<80x64xf32, #tpu.memory_space<vmem>>, vector<16xf32>,
      tpu.vector_store %arg8[%swap3A_139, %swap3A_140], %broadcast_in_dim3A_138 {strides = array<i32>} : memref<80x64xf32, #tpu.memory_space<vmem>>, vector<16xf32>,
      %broadcast_in_dim3A_142 = arith.constant 0.000000e+00 : f32
      %broadcast_in_dim3A_143 = vector.broadcast %broadcast_in_dim3A_142 : f32 to vector<16xf32>
      %swap3A_144 = arith.index_cast %scan3A_127 : i32 to index
      %swap3A_145 = arith.constant 48 : index
      %swap3A_146 = tpu.vector_load %arg8[%swap3A_144, %swap3A_145] {strides = array<i32>} : memref<80x64xf32, #tpu.memory_space<vmem>>, vector<16xf32>,
      tpu.vector_store %arg8[%swap3A_144, %swap3A_145], %broadcast_in_dim3A_143 {strides = array<i32>} : memref<80x64xf32, #tpu.memory_space<vmem>>, vector<16xf32>,
      %scan3A_147 = arith.constant 0 : i32
      scf.yield %scan3A_147 : i32
    }
    %scan3A_5 = arith.constant 80 : i32
    %scan3A_6 = arith.constant 0 : i32
    %scan3A_7 = arith.constant 0 : i32
    %scan3A_8 = arith.constant 25 : i32
    %scan3A_9 = arith.addi %scan3A_7, %scan3A_8 : i32
    %scan3A_10 = arith.constant 1 : i32
    %scan3A_11 = scf.for %scan3A_127 = %scan3A_7 to %scan3A_9 step %scan3A_10 iter_args(%scan3A_128 = %scan3A_6) -> (i32)  : i32 {
      %mul3A = arith.constant 1250 : i32
      %mul3A_129 = arith.muli %arg1, %mul3A : i32
      %mul3A_130 = arith.constant 50 : i32
      %mul3A_131 = arith.muli %scan3A_127, %mul3A_130 : i32
      %add3A = arith.addi %mul3A_129, %mul3A_131 : i32
      "tpu.region"() ({
        %run_scoped3A_133 = tpu.sem_alloc : memref<!tpu.dma_semaphore, #tpu.memory_space<semaphore_mem>>
        %dma_start3A_134 = arith.constant 0 : i32
        %dma_start3A_135 = arith.constant 0 : i32
        %dma_start3A_136 = tpu.memref_slice %arg8[%dma_start3A_134, %dma_start3A_135] : memref<80x64xf32, #tpu.memory_space<vmem>> -> memref<50x64xf32, #tpu.memory_space<vmem>>
        %dma_start3A_137 = arith.constant 0 : i32
        %dma_start3A_138 = tpu.memref_slice %arg10[%add3A, %dma_start3A_137] : memref<20000x64xf32, #tpu.memory_space<vmem_shared>> -> memref<50x64xf32, #tpu.memory_space<vmem_shared>>
        %dma_start3A_139 = arith.constant 0 : i32
        %dma_start3A_140 = tpu.memref_slice %arg10[%add3A, %dma_start3A_139] : memref<20000x64xf32, #tpu.memory_space<vmem_shared>> -> memref<50x64xf32, #tpu.memory_space<vmem_shared>>
        %dma_start3A_141 = arith.constant 0 : i32
        %dma_start3A_142 = arith.constant 0 : i32
        %dma_start3A_143 = tpu.memref_slice %arg8[%dma_start3A_141, %dma_start3A_142] : memref<80x64xf32, #tpu.memory_space<vmem>> -> memref<50x64xf32, #tpu.memory_space<vmem>>
        tpu.enqueue_dma source(%dma_start3A_143 : memref<50x64xf32, #tpu.memory_space<vmem>>) target(%dma_start3A_140 : memref<50x64xf32, #tpu.memory_space<vmem_shared>>) target_semaphore(%run_scoped3A_133 : memref<!tpu.dma_semaphore, #tpu.memory_space<semaphore_mem>>)
        %dma_wait3A_144 = arith.constant 0 : i32
        %dma_wait3A_145 = arith.constant 0 : i32
        %dma_wait3A_146 = tpu.memref_slice %arg8[%dma_wait3A_144, %dma_wait3A_145] : memref<80x64xf32, #tpu.memory_space<vmem>> -> memref<50x64xf32, #tpu.memory_space<vmem>>
        %dma_wait3A_147 = arith.constant 0 : i32
        %dma_wait3A_148 = tpu.memref_slice %arg10[%add3A, %dma_wait3A_147] : memref<20000x64xf32, #tpu.memory_space<vmem_shared>> -> memref<50x64xf32, #tpu.memory_space<vmem_shared>>
        %dma_wait3A_149 = arith.constant 0 : i32
        %dma_wait3A_150 = tpu.memref_slice %arg10[%add3A, %dma_wait3A_149] : memref<20000x64xf32, #tpu.memory_space<vmem_shared>> -> memref<50x64xf32, #tpu.memory_space<vmem_shared>>
        %dma_wait3A_151 = arith.constant 0 : i32
        %dma_wait3A_152 = arith.constant 0 : i32
        %dma_wait3A_153 = tpu.memref_slice %arg8[%dma_wait3A_151, %dma_wait3A_152] : memref<80x64xf32, #tpu.memory_space<vmem>> -> memref<50x64xf32, #tpu.memory_space<vmem>>
        tpu.wait_dma2 semaphore(%run_scoped3A_133 : memref<!tpu.dma_semaphore, #tpu.memory_space<semaphore_mem>>) src(%dma_wait3A_153 : memref<50x64xf32, #tpu.memory_space<vmem>>) dst(%dma_wait3A_150 : memref<50x64xf32, #tpu.memory_space<vmem_shared>>)
        tpu.yield
      }) : () -> ()
      %scan3A_132 = arith.constant 0 : i32
      scf.yield %scan3A_132 : i32
    }
    %scan3A_12 = arith.constant 25 : i32
    %barrier3A = arith.constant 0 : index
    tpu.barrier barrier_id(%barrier3A)
    %dma_start3A = arith.constant 0 : i32
    %dma_start3A_13 = arith.constant 0 : i32
    %dma_start3A_14 = tpu.memref_slice %arg6[%dma_start3A, %dma_start3A_13] : memref<250x80xi32, #tpu.memory_space<vmem>> -> memref<1x80xi32, #tpu.memory_space<vmem>>
    %dma_start3A_15 = tpu.memref_squeeze %dma_start3A_14 : memref<1x80xi32, #tpu.memory_space<vmem>> -> memref<80xi32, #tpu.memory_space<vmem>>
    %dma_start3A_16 = arith.constant 0 : i32
    %dma_start3A_17 = arith.constant 0 : i32
    %dma_start3A_18 = tpu.memref_slice %arg2[%arg0, %dma_start3A_16, %dma_start3A_17] : memref<2x20000x64xf32, #tpu.memory_space<hbm>> -> memref<1x20000x64xf32, #tpu.memory_space<hbm>>
    %dma_start3A_19 = tpu.memref_squeeze %dma_start3A_18 : memref<1x20000x64xf32, #tpu.memory_space<hbm>> -> memref<20000x64xf32, #tpu.memory_space<hbm>>
    %dma_start3A_20 = arith.constant 0 : i32
    %dma_start3A_21 = arith.constant 0 : i32
    %dma_start3A_22 = tpu.memref_slice %dma_start3A_19[%dma_start3A_20, %dma_start3A_21] : memref<20000x64xf32, #tpu.memory_space<hbm>> -> memref<20000x64xf32, #tpu.memory_space<hbm>>
    tpu.enqueue_indirect_dma source(%dma_start3A_22 : memref<20000x64xf32, #tpu.memory_space<hbm>>) target(%arg8 : memref<80x64xf32, #tpu.memory_space<vmem>>) offsets(%dma_start3A_15 : memref<80xi32, #tpu.memory_space<vmem>>) semaphore(%arg11 : memref<!tpu.dma_semaphore, #tpu.memory_space<semaphore_mem>>)
    %dma_start3A_23 = arith.constant 0 : i32
    %dma_start3A_24 = arith.constant 0 : i32
    %dma_start3A_25 = arith.constant 0 : i32
    %dma_start3A_26 = tpu.memref_slice %arg7[%dma_start3A_24, %dma_start3A_25] : memref<2x80xi32, #tpu.memory_space<vmem>> -> memref<1x80xi32, #tpu.memory_space<vmem>>
    %dma_start3A_27 = tpu.memref_squeeze %dma_start3A_26 : memref<1x80xi32, #tpu.memory_space<vmem>> -> memref<80xi32, #tpu.memory_space<vmem>>
    %dma_start3A_28 = arith.constant 0 : i32
    %dma_start3A_29 = tpu.memref_slice %arg4[%arg1, %dma_start3A_23, %dma_start3A_28] : memref<16x250x80xi32, #tpu.memory_space<hbm>> -> memref<1x1x80xi32, #tpu.memory_space<hbm>>
    %dma_start3A_30 = tpu.memref_squeeze %dma_start3A_29 : memref<1x1x80xi32, #tpu.memory_space<hbm>> -> memref<80xi32, #tpu.memory_space<hbm>>
    %dma_start3A_31 = arith.constant 0 : i32
    %dma_start3A_32 = tpu.memref_slice %arg7[%dma_start3A_24, %dma_start3A_31] : memref<2x80xi32, #tpu.memory_space<vmem>> -> memref<1x80xi32, #tpu.memory_space<vmem>>
    %dma_start3A_33 = tpu.memref_squeeze %dma_start3A_32 : memref<1x80xi32, #tpu.memory_space<vmem>> -> memref<80xi32, #tpu.memory_space<vmem>>
    %dma_start3A_34 = arith.constant 0 : i32
    %dma_start3A_35 = tpu.memref_slice %arg4[%arg1, %dma_start3A_23, %dma_start3A_34] : memref<16x250x80xi32, #tpu.memory_space<hbm>> -> memref<1x1x80xi32, #tpu.memory_space<hbm>>
    %dma_start3A_36 = tpu.memref_squeeze %dma_start3A_35 : memref<1x1x80xi32, #tpu.memory_space<hbm>> -> memref<80xi32, #tpu.memory_space<hbm>>
    tpu.enqueue_dma source(%dma_start3A_36 : memref<80xi32, #tpu.memory_space<hbm>>) target(%dma_start3A_33 : memref<80xi32, #tpu.memory_space<vmem>>) target_semaphore(%arg13 : memref<!tpu.dma_semaphore, #tpu.memory_space<semaphore_mem>>)
    %dma_start3A_37 = arith.constant 1 : i32
    %dma_start3A_38 = arith.constant 0 : i32
    %dma_start3A_39 = tpu.memref_slice %arg6[%dma_start3A_37, %dma_start3A_38] : memref<250x80xi32, #tpu.memory_space<vmem>> -> memref<1x80xi32, #tpu.memory_space<vmem>>
    %dma_start3A_40 = tpu.memref_squeeze %dma_start3A_39 : memref<1x80xi32, #tpu.memory_space<vmem>> -> memref<80xi32, #tpu.memory_space<vmem>>
    %dma_start3A_41 = arith.constant 0 : i32
    %dma_start3A_42 = arith.constant 0 : i32
    %dma_start3A_43 = tpu.memref_slice %arg2[%arg0, %dma_start3A_41, %dma_start3A_42] : memref<2x20000x64xf32, #tpu.memory_space<hbm>> -> memref<1x20000x64xf32, #tpu.memory_space<hbm>>
    %dma_start3A_44 = tpu.memref_squeeze %dma_start3A_43 : memref<1x20000x64xf32, #tpu.memory_space<hbm>> -> memref<20000x64xf32, #tpu.memory_space<hbm>>
    %dma_start3A_45 = arith.constant 0 : i32
    %dma_start3A_46 = arith.constant 0 : i32
    %dma_start3A_47 = tpu.memref_slice %dma_start3A_44[%dma_start3A_45, %dma_start3A_46] : memref<20000x64xf32, #tpu.memory_space<hbm>> -> memref<20000x64xf32, #tpu.memory_space<hbm>>
    tpu.enqueue_indirect_dma source(%dma_start3A_47 : memref<20000x64xf32, #tpu.memory_space<hbm>>) target(%arg9 : memref<80x64xf32, #tpu.memory_space<vmem>>) offsets(%dma_start3A_40 : memref<80xi32, #tpu.memory_space<vmem>>) semaphore(%arg12 : memref<!tpu.dma_semaphore, #tpu.memory_space<semaphore_mem>>)
    %dma_start3A_48 = arith.constant 1 : i32
    %dma_start3A_49 = arith.constant 1 : i32
    %dma_start3A_50 = arith.constant 0 : i32
    %dma_start3A_51 = tpu.memref_slice %arg7[%dma_start3A_49, %dma_start3A_50] : memref<2x80xi32, #tpu.memory_space<vmem>> -> memref<1x80xi32, #tpu.memory_space<vmem>>
    %dma_start3A_52 = tpu.memref_squeeze %dma_start3A_51 : memref<1x80xi32, #tpu.memory_space<vmem>> -> memref<80xi32, #tpu.memory_space<vmem>>
    %dma_start3A_53 = arith.constant 0 : i32
    %dma_start3A_54 = tpu.memref_slice %arg4[%arg1, %dma_start3A_48, %dma_start3A_53] : memref<16x250x80xi32, #tpu.memory_space<hbm>> -> memref<1x1x80xi32, #tpu.memory_space<hbm>>
    %dma_start3A_55 = tpu.memref_squeeze %dma_start3A_54 : memref<1x1x80xi32, #tpu.memory_space<hbm>> -> memref<80xi32, #tpu.memory_space<hbm>>
    %dma_start3A_56 = arith.constant 0 : i32
    %dma_start3A_57 = tpu.memref_slice %arg7[%dma_start3A_49, %dma_start3A_56] : memref<2x80xi32, #tpu.memory_space<vmem>> -> memref<1x80xi32, #tpu.memory_space<vmem>>
    %dma_start3A_58 = tpu.memref_squeeze %dma_start3A_57 : memref<1x80xi32, #tpu.memory_space<vmem>> -> memref<80xi32, #tpu.memory_space<vmem>>
    %dma_start3A_59 = arith.constant 0 : i32
    %dma_start3A_60 = tpu.memref_slice %arg4[%arg1, %dma_start3A_48, %dma_start3A_59] : memref<16x250x80xi32, #tpu.memory_space<hbm>> -> memref<1x1x80xi32, #tpu.memory_space<hbm>>
    %dma_start3A_61 = tpu.memref_squeeze %dma_start3A_60 : memref<1x1x80xi32, #tpu.memory_space<hbm>> -> memref<80xi32, #tpu.memory_space<hbm>>
    tpu.enqueue_dma source(%dma_start3A_61 : memref<80xi32, #tpu.memory_space<hbm>>) target(%dma_start3A_58 : memref<80xi32, #tpu.memory_space<vmem>>) target_semaphore(%arg14 : memref<!tpu.dma_semaphore, #tpu.memory_space<semaphore_mem>>)
    %scan3A_62 = arith.constant 0 : i32
    %scan3A_63 = arith.constant 0 : i32
    %scan3A_64 = arith.constant 124 : i32
    %scan3A_65 = arith.addi %scan3A_63, %scan3A_64 : i32
    %scan3A_66 = arith.constant 1 : i32
    %scan3A_67 = scf.for %scan3A_127 = %scan3A_63 to %scan3A_65 step %scan3A_66 iter_args(%scan3A_128 = %scan3A_62) -> (i32)  : i32 {
      %mul3A = arith.constant 2 : i32
      %mul3A_129 = arith.muli %scan3A_127, %mul3A : i32
      %add3A = arith.constant 0 : i32
      %add3A_130 = arith.addi %mul3A_129, %add3A : i32
      %dma_wait3A_131 = arith.constant 0 : i32
      %dma_wait3A_132 = tpu.memref_slice %arg6[%add3A_130, %dma_wait3A_131] : memref<250x80xi32, #tpu.memory_space<vmem>> -> memref<1x80xi32, #tpu.memory_space<vmem>>
      %dma_wait3A_133 = tpu.memref_squeeze %dma_wait3A_132 : memref<1x80xi32, #tpu.memory_space<vmem>> -> memref<80xi32, #tpu.memory_space<vmem>>
      %dma_wait3A_134 = arith.constant 0 : i32
      %dma_wait3A_135 = arith.constant 0 : i32
      %dma_wait3A_136 = tpu.memref_slice %arg2[%arg0, %dma_wait3A_134, %dma_wait3A_135] : memref<2x20000x64xf32, #tpu.memory_space<hbm>> -> memref<1x20000x64xf32, #tpu.memory_space<hbm>>
      %dma_wait3A_137 = tpu.memref_squeeze %dma_wait3A_136 : memref<1x20000x64xf32, #tpu.memory_space<hbm>> -> memref<20000x64xf32, #tpu.memory_space<hbm>>
      %dma_wait3A_138 = arith.constant 0 : i32
      %dma_wait3A_139 = arith.constant 0 : i32
      %dma_wait3A_140 = tpu.memref_slice %dma_wait3A_137[%dma_wait3A_138, %dma_wait3A_139] : memref<20000x64xf32, #tpu.memory_space<hbm>> -> memref<20000x64xf32, #tpu.memory_space<hbm>>
      tpu.wait_indirect_dma semaphore(%arg11 : memref<!tpu.dma_semaphore, #tpu.memory_space<semaphore_mem>>) src(%dma_wait3A_140 : memref<20000x64xf32, #tpu.memory_space<hbm>>) dst(%arg8 : memref<80x64xf32, #tpu.memory_space<vmem>>)
      %dma_wait3A_141 = arith.constant 0 : i32
      %dma_wait3A_142 = arith.constant 0 : i32
      %dma_wait3A_143 = tpu.memref_slice %arg7[%dma_wait3A_141, %dma_wait3A_142] : memref<2x80xi32, #tpu.memory_space<vmem>> -> memref<1x80xi32, #tpu.memory_space<vmem>>
      %dma_wait3A_144 = tpu.memref_squeeze %dma_wait3A_143 : memref<1x80xi32, #tpu.memory_space<vmem>> -> memref<80xi32, #tpu.memory_space<vmem>>
      %dma_wait3A_145 = arith.constant 0 : i32
      %dma_wait3A_146 = tpu.memref_slice %arg4[%arg1, %add3A_130, %dma_wait3A_145] : memref<16x250x80xi32, #tpu.memory_space<hbm>> -> memref<1x1x80xi32, #tpu.memory_space<hbm>>
      %dma_wait3A_147 = tpu.memref_squeeze %dma_wait3A_146 : memref<1x1x80xi32, #tpu.memory_space<hbm>> -> memref<80xi32, #tpu.memory_space<hbm>>
      %dma_wait3A_148 = arith.constant 0 : i32
      %dma_wait3A_149 = tpu.memref_slice %arg7[%dma_wait3A_141, %dma_wait3A_148] : memref<2x80xi32, #tpu.memory_space<vmem>> -> memref<1x80xi32, #tpu.memory_space<vmem>>
      %dma_wait3A_150 = tpu.memref_squeeze %dma_wait3A_149 : memref<1x80xi32, #tpu.memory_space<vmem>> -> memref<80xi32, #tpu.memory_space<vmem>>
      %dma_wait3A_151 = arith.constant 0 : i32
      %dma_wait3A_152 = tpu.memref_slice %arg4[%arg1, %add3A_130, %dma_wait3A_151] : memref<16x250x80xi32, #tpu.memory_space<hbm>> -> memref<1x1x80xi32, #tpu.memory_space<hbm>>
      %dma_wait3A_153 = tpu.memref_squeeze %dma_wait3A_152 : memref<1x1x80xi32, #tpu.memory_space<hbm>> -> memref<80xi32, #tpu.memory_space<hbm>>
      tpu.wait_dma2 semaphore(%arg13 : memref<!tpu.dma_semaphore, #tpu.memory_space<semaphore_mem>>) src(%dma_wait3A_153 : memref<80xi32, #tpu.memory_space<hbm>>) dst(%dma_wait3A_150 : memref<80xi32, #tpu.memory_space<vmem>>)
      %run_scoped3A_154 = arith.constant 0 : i32
      "tpu.region"() ({
        %run_scoped3A_238 = tpu.sem_alloc : memref<!tpu.dma_semaphore, #tpu.memory_space<semaphore_mem>>
        %dma_start3A_239 = arith.constant 0 : i32
        %dma_start3A_240 = tpu.memref_slice %arg7[%run_scoped3A_154, %dma_start3A_239] : memref<2x80xi32, #tpu.memory_space<vmem>> -> memref<1x80xi32, #tpu.memory_space<vmem>>
        %dma_start3A_241 = tpu.memref_squeeze %dma_start3A_240 : memref<1x80xi32, #tpu.memory_space<vmem>> -> memref<80xi32, #tpu.memory_space<vmem>>
        %dma_start3A_242 = arith.constant 0 : i32
        %dma_start3A_243 = arith.constant 0 : i32
        %dma_start3A_244 = tpu.memref_slice %arg10[%dma_start3A_242, %dma_start3A_243] : memref<20000x64xf32, #tpu.memory_space<vmem_shared>> -> memref<20000x64xf32, #tpu.memory_space<vmem_shared>>
        tpu.enqueue_indirect_dma source(%arg8 : memref<80x64xf32, #tpu.memory_space<vmem>>) target(%dma_start3A_244 : memref<20000x64xf32, #tpu.memory_space<vmem_shared>>) offsets(%dma_start3A_241 : memref<80xi32, #tpu.memory_space<vmem>>) semaphore(%run_scoped3A_238 : memref<!tpu.dma_semaphore, #tpu.memory_space<semaphore_mem>>) {add = true}
        %dma_wait3A_245 = arith.constant 0 : i32
        %dma_wait3A_246 = tpu.memref_slice %arg7[%run_scoped3A_154, %dma_wait3A_245] : memref<2x80xi32, #tpu.memory_space<vmem>> -> memref<1x80xi32, #tpu.memory_space<vmem>>
        %dma_wait3A_247 = tpu.memref_squeeze %dma_wait3A_246 : memref<1x80xi32, #tpu.memory_space<vmem>> -> memref<80xi32, #tpu.memory_space<vmem>>
        %dma_wait3A_248 = arith.constant 0 : i32
        %dma_wait3A_249 = arith.constant 0 : i32
        %dma_wait3A_250 = tpu.memref_slice %arg10[%dma_wait3A_248, %dma_wait3A_249] : memref<20000x64xf32, #tpu.memory_space<vmem_shared>> -> memref<20000x64xf32, #tpu.memory_space<vmem_shared>>
        tpu.wait_indirect_dma semaphore(%run_scoped3A_238 : memref<!tpu.dma_semaphore, #tpu.memory_space<semaphore_mem>>) src(%arg8 : memref<80x64xf32, #tpu.memory_space<vmem>>) dst(%dma_wait3A_250 : memref<20000x64xf32, #tpu.memory_space<vmem_shared>>)
        tpu.yield
      }) : () -> ()
      %add3A_155 = arith.constant 2 : i32
      %add3A_156 = arith.addi %add3A_130, %add3A_155 : i32
      %dma_start3A_157 = arith.constant 0 : i32
      %dma_start3A_158 = tpu.memref_slice %arg6[%add3A_156, %dma_start3A_157] : memref<250x80xi32, #tpu.memory_space<vmem>> -> memref<1x80xi32, #tpu.memory_space<vmem>>
      %dma_start3A_159 = tpu.memref_squeeze %dma_start3A_158 : memref<1x80xi32, #tpu.memory_space<vmem>> -> memref<80xi32, #tpu.memory_space<vmem>>
      %dma_start3A_160 = arith.constant 0 : i32
      %dma_start3A_161 = arith.constant 0 : i32
      %dma_start3A_162 = tpu.memref_slice %arg2[%arg0, %dma_start3A_160, %dma_start3A_161] : memref<2x20000x64xf32, #tpu.memory_space<hbm>> -> memref<1x20000x64xf32, #tpu.memory_space<hbm>>
      %dma_start3A_163 = tpu.memref_squeeze %dma_start3A_162 : memref<1x20000x64xf32, #tpu.memory_space<hbm>> -> memref<20000x64xf32, #tpu.memory_space<hbm>>
      %dma_start3A_164 = arith.constant 0 : i32
      %dma_start3A_165 = arith.constant 0 : i32
      %dma_start3A_166 = tpu.memref_slice %dma_start3A_163[%dma_start3A_164, %dma_start3A_165] : memref<20000x64xf32, #tpu.memory_space<hbm>> -> memref<20000x64xf32, #tpu.memory_space<hbm>>
      tpu.enqueue_indirect_dma source(%dma_start3A_166 : memref<20000x64xf32, #tpu.memory_space<hbm>>) target(%arg8 : memref<80x64xf32, #tpu.memory_space<vmem>>) offsets(%dma_start3A_159 : memref<80xi32, #tpu.memory_space<vmem>>) semaphore(%arg11 : memref<!tpu.dma_semaphore, #tpu.memory_space<semaphore_mem>>)
      %add3A_167 = arith.constant 2 : i32
      %add3A_168 = arith.addi %add3A_130, %add3A_167 : i32
      %dma_start3A_169 = arith.constant 0 : i32
      %dma_start3A_170 = arith.constant 0 : i32
      %dma_start3A_171 = tpu.memref_slice %arg7[%dma_start3A_169, %dma_start3A_170] : memref<2x80xi32, #tpu.memory_space<vmem>> -> memref<1x80xi32, #tpu.memory_space<vmem>>
      %dma_start3A_172 = tpu.memref_squeeze %dma_start3A_171 : memref<1x80xi32, #tpu.memory_space<vmem>> -> memref<80xi32, #tpu.memory_space<vmem>>
      %dma_start3A_173 = arith.constant 0 : i32
      %dma_start3A_174 = tpu.memref_slice %arg4[%arg1, %add3A_168, %dma_start3A_173] : memref<16x250x80xi32, #tpu.memory_space<hbm>> -> memref<1x1x80xi32, #tpu.memory_space<hbm>>
      %dma_start3A_175 = tpu.memref_squeeze %dma_start3A_174 : memref<1x1x80xi32, #tpu.memory_space<hbm>> -> memref<80xi32, #tpu.memory_space<hbm>>
      %dma_start3A_176 = arith.constant 0 : i32
      %dma_start3A_177 = tpu.memref_slice %arg7[%dma_start3A_169, %dma_start3A_176] : memref<2x80xi32, #tpu.memory_space<vmem>> -> memref<1x80xi32, #tpu.memory_space<vmem>>
      %dma_start3A_178 = tpu.memref_squeeze %dma_start3A_177 : memref<1x80xi32, #tpu.memory_space<vmem>> -> memref<80xi32, #tpu.memory_space<vmem>>
      %dma_start3A_179 = arith.constant 0 : i32
      %dma_start3A_180 = tpu.memref_slice %arg4[%arg1, %add3A_168, %dma_start3A_179] : memref<16x250x80xi32, #tpu.memory_space<hbm>> -> memref<1x1x80xi32, #tpu.memory_space<hbm>>
      %dma_start3A_181 = tpu.memref_squeeze %dma_start3A_180 : memref<1x1x80xi32, #tpu.memory_space<hbm>> -> memref<80xi32, #tpu.memory_space<hbm>>
      tpu.enqueue_dma source(%dma_start3A_181 : memref<80xi32, #tpu.memory_space<hbm>>) target(%dma_start3A_178 : memref<80xi32, #tpu.memory_space<vmem>>) target_semaphore(%arg13 : memref<!tpu.dma_semaphore, #tpu.memory_space<semaphore_mem>>)
      %mul3A_182 = arith.constant 2 : i32
      %mul3A_183 = arith.muli %scan3A_127, %mul3A_182 : i32
      %add3A_184 = arith.constant 1 : i32
      %add3A_185 = arith.addi %mul3A_183, %add3A_184 : i32
      %dma_wait3A_186 = arith.constant 0 : i32
      %dma_wait3A_187 = tpu.memref_slice %arg6[%add3A_185, %dma_wait3A_186] : memref<250x80xi32, #tpu.memory_space<vmem>> -> memref<1x80xi32, #tpu.memory_space<vmem>>
      %dma_wait3A_188 = tpu.memref_squeeze %dma_wait3A_187 : memref<1x80xi32, #tpu.memory_space<vmem>> -> memref<80xi32, #tpu.memory_space<vmem>>
      %dma_wait3A_189 = arith.constant 0 : i32
      %dma_wait3A_190 = arith.constant 0 : i32
      %dma_wait3A_191 = tpu.memref_slice %arg2[%arg0, %dma_wait3A_189, %dma_wait3A_190] : memref<2x20000x64xf32, #tpu.memory_space<hbm>> -> memref<1x20000x64xf32, #tpu.memory_space<hbm>>
      %dma_wait3A_192 = tpu.memref_squeeze %dma_wait3A_191 : memref<1x20000x64xf32, #tpu.memory_space<hbm>> -> memref<20000x64xf32, #tpu.memory_space<hbm>>
      %dma_wait3A_193 = arith.constant 0 : i32
      %dma_wait3A_194 = arith.constant 0 : i32
      %dma_wait3A_195 = tpu.memref_slice %dma_wait3A_192[%dma_wait3A_193, %dma_wait3A_194] : memref<20000x64xf32, #tpu.memory_space<hbm>> -> memref<20000x64xf32, #tpu.memory_space<hbm>>
      tpu.wait_indirect_dma semaphore(%arg12 : memref<!tpu.dma_semaphore, #tpu.memory_space<semaphore_mem>>) src(%dma_wait3A_195 : memref<20000x64xf32, #tpu.memory_space<hbm>>) dst(%arg9 : memref<80x64xf32, #tpu.memory_space<vmem>>)
      %dma_wait3A_196 = arith.constant 1 : i32
      %dma_wait3A_197 = arith.constant 0 : i32
      %dma_wait3A_198 = tpu.memref_slice %arg7[%dma_wait3A_196, %dma_wait3A_197] : memref<2x80xi32, #tpu.memory_space<vmem>> -> memref<1x80xi32, #tpu.memory_space<vmem>>
      %dma_wait3A_199 = tpu.memref_squeeze %dma_wait3A_198 : memref<1x80xi32, #tpu.memory_space<vmem>> -> memref<80xi32, #tpu.memory_space<vmem>>
      %dma_wait3A_200 = arith.constant 0 : i32
      %dma_wait3A_201 = tpu.memref_slice %arg4[%arg1, %add3A_185, %dma_wait3A_200] : memref<16x250x80xi32, #tpu.memory_space<hbm>> -> memref<1x1x80xi32, #tpu.memory_space<hbm>>
      %dma_wait3A_202 = tpu.memref_squeeze %dma_wait3A_201 : memref<1x1x80xi32, #tpu.memory_space<hbm>> -> memref<80xi32, #tpu.memory_space<hbm>>
      %dma_wait3A_203 = arith.constant 0 : i32
      %dma_wait3A_204 = tpu.memref_slice %arg7[%dma_wait3A_196, %dma_wait3A_203] : memref<2x80xi32, #tpu.memory_space<vmem>> -> memref<1x80xi32, #tpu.memory_space<vmem>>
      %dma_wait3A_205 = tpu.memref_squeeze %dma_wait3A_204 : memref<1x80xi32, #tpu.memory_space<vmem>> -> memref<80xi32, #tpu.memory_space<vmem>>
      %dma_wait3A_206 = arith.constant 0 : i32
      %dma_wait3A_207 = tpu.memref_slice %arg4[%arg1, %add3A_185, %dma_wait3A_206] : memref<16x250x80xi32, #tpu.memory_space<hbm>> -> memref<1x1x80xi32, #tpu.memory_space<hbm>>
      %dma_wait3A_208 = tpu.memref_squeeze %dma_wait3A_207 : memref<1x1x80xi32, #tpu.memory_space<hbm>> -> memref<80xi32, #tpu.memory_space<hbm>>
      tpu.wait_dma2 semaphore(%arg14 : memref<!tpu.dma_semaphore, #tpu.memory_space<semaphore_mem>>) src(%dma_wait3A_208 : memref<80xi32, #tpu.memory_space<hbm>>) dst(%dma_wait3A_205 : memref<80xi32, #tpu.memory_space<vmem>>)
      %run_scoped3A_209 = arith.constant 1 : i32
      "tpu.region"() ({
        %run_scoped3A_238 = tpu.sem_alloc : memref<!tpu.dma_semaphore, #tpu.memory_space<semaphore_mem>>
        %dma_start3A_239 = arith.constant 0 : i32
        %dma_start3A_240 = tpu.memref_slice %arg7[%run_scoped3A_209, %dma_start3A_239] : memref<2x80xi32, #tpu.memory_space<vmem>> -> memref<1x80xi32, #tpu.memory_space<vmem>>
        %dma_start3A_241 = tpu.memref_squeeze %dma_start3A_240 : memref<1x80xi32, #tpu.memory_space<vmem>> -> memref<80xi32, #tpu.memory_space<vmem>>
        %dma_start3A_242 = arith.constant 0 : i32
        %dma_start3A_243 = arith.constant 0 : i32
        %dma_start3A_244 = tpu.memref_slice %arg10[%dma_start3A_242, %dma_start3A_243] : memref<20000x64xf32, #tpu.memory_space<vmem_shared>> -> memref<20000x64xf32, #tpu.memory_space<vmem_shared>>
        tpu.enqueue_indirect_dma source(%arg9 : memref<80x64xf32, #tpu.memory_space<vmem>>) target(%dma_start3A_244 : memref<20000x64xf32, #tpu.memory_space<vmem_shared>>) offsets(%dma_start3A_241 : memref<80xi32, #tpu.memory_space<vmem>>) semaphore(%run_scoped3A_238 : memref<!tpu.dma_semaphore, #tpu.memory_space<semaphore_mem>>) {add = true}
        %dma_wait3A_245 = arith.constant 0 : i32
        %dma_wait3A_246 = tpu.memref_slice %arg7[%run_scoped3A_209, %dma_wait3A_245] : memref<2x80xi32, #tpu.memory_space<vmem>> -> memref<1x80xi32, #tpu.memory_space<vmem>>
        %dma_wait3A_247 = tpu.memref_squeeze %dma_wait3A_246 : memref<1x80xi32, #tpu.memory_space<vmem>> -> memref<80xi32, #tpu.memory_space<vmem>>
        %dma_wait3A_248 = arith.constant 0 : i32
        %dma_wait3A_249 = arith.constant 0 : i32
        %dma_wait3A_250 = tpu.memref_slice %arg10[%dma_wait3A_248, %dma_wait3A_249] : memref<20000x64xf32, #tpu.memory_space<vmem_shared>> -> memref<20000x64xf32, #tpu.memory_space<vmem_shared>>
        tpu.wait_indirect_dma semaphore(%run_scoped3A_238 : memref<!tpu.dma_semaphore, #tpu.memory_space<semaphore_mem>>) src(%arg9 : memref<80x64xf32, #tpu.memory_space<vmem>>) dst(%dma_wait3A_250 : memref<20000x64xf32, #tpu.memory_space<vmem_shared>>)
        tpu.yield
      }) : () -> ()
      %add3A_210 = arith.constant 2 : i32
      %add3A_211 = arith.addi %add3A_185, %add3A_210 : i32
      %dma_start3A_212 = arith.constant 0 : i32
      %dma_start3A_213 = tpu.memref_slice %arg6[%add3A_211, %dma_start3A_212] : memref<250x80xi32, #tpu.memory_space<vmem>> -> memref<1x80xi32, #tpu.memory_space<vmem>>
      %dma_start3A_214 = tpu.memref_squeeze %dma_start3A_213 : memref<1x80xi32, #tpu.memory_space<vmem>> -> memref<80xi32, #tpu.memory_space<vmem>>
      %dma_start3A_215 = arith.constant 0 : i32
      %dma_start3A_216 = arith.constant 0 : i32
      %dma_start3A_217 = tpu.memref_slice %arg2[%arg0, %dma_start3A_215, %dma_start3A_216] : memref<2x20000x64xf32, #tpu.memory_space<hbm>> -> memref<1x20000x64xf32, #tpu.memory_space<hbm>>
      %dma_start3A_218 = tpu.memref_squeeze %dma_start3A_217 : memref<1x20000x64xf32, #tpu.memory_space<hbm>> -> memref<20000x64xf32, #tpu.memory_space<hbm>>
      %dma_start3A_219 = arith.constant 0 : i32
      %dma_start3A_220 = arith.constant 0 : i32
      %dma_start3A_221 = tpu.memref_slice %dma_start3A_218[%dma_start3A_219, %dma_start3A_220] : memref<20000x64xf32, #tpu.memory_space<hbm>> -> memref<20000x64xf32, #tpu.memory_space<hbm>>
      tpu.enqueue_indirect_dma source(%dma_start3A_221 : memref<20000x64xf32, #tpu.memory_space<hbm>>) target(%arg9 : memref<80x64xf32, #tpu.memory_space<vmem>>) offsets(%dma_start3A_214 : memref<80xi32, #tpu.memory_space<vmem>>) semaphore(%arg12 : memref<!tpu.dma_semaphore, #tpu.memory_space<semaphore_mem>>)
      %add3A_222 = arith.constant 2 : i32
      %add3A_223 = arith.addi %add3A_185, %add3A_222 : i32
      %dma_start3A_224 = arith.constant 1 : i32
      %dma_start3A_225 = arith.constant 0 : i32
      %dma_start3A_226 = tpu.memref_slice %arg7[%dma_start3A_224, %dma_start3A_225] : memref<2x80xi32, #tpu.memory_space<vmem>> -> memref<1x80xi32, #tpu.memory_space<vmem>>
      %dma_start3A_227 = tpu.memref_squeeze %dma_start3A_226 : memref<1x80xi32, #tpu.memory_space<vmem>> -> memref<80xi32, #tpu.memory_space<vmem>>
      %dma_start3A_228 = arith.constant 0 : i32
      %dma_start3A_229 = tpu.memref_slice %arg4[%arg1, %add3A_223, %dma_start3A_228] : memref<16x250x80xi32, #tpu.memory_space<hbm>> -> memref<1x1x80xi32, #tpu.memory_space<hbm>>
      %dma_start3A_230 = tpu.memref_squeeze %dma_start3A_229 : memref<1x1x80xi32, #tpu.memory_space<hbm>> -> memref<80xi32, #tpu.memory_space<hbm>>
      %dma_start3A_231 = arith.constant 0 : i32
      %dma_start3A_232 = tpu.memref_slice %arg7[%dma_start3A_224, %dma_start3A_231] : memref<2x80xi32, #tpu.memory_space<vmem>> -> memref<1x80xi32, #tpu.memory_space<vmem>>
      %dma_start3A_233 = tpu.memref_squeeze %dma_start3A_232 : memref<1x80xi32, #tpu.memory_space<vmem>> -> memref<80xi32, #tpu.memory_space<vmem>>
      %dma_start3A_234 = arith.constant 0 : i32
      %dma_start3A_235 = tpu.memref_slice %arg4[%arg1, %add3A_223, %dma_start3A_234] : memref<16x250x80xi32, #tpu.memory_space<hbm>> -> memref<1x1x80xi32, #tpu.memory_space<hbm>>
      %dma_start3A_236 = tpu.memref_squeeze %dma_start3A_235 : memref<1x1x80xi32, #tpu.memory_space<hbm>> -> memref<80xi32, #tpu.memory_space<hbm>>
      tpu.enqueue_dma source(%dma_start3A_236 : memref<80xi32, #tpu.memory_space<hbm>>) target(%dma_start3A_233 : memref<80xi32, #tpu.memory_space<vmem>>) target_semaphore(%arg14 : memref<!tpu.dma_semaphore, #tpu.memory_space<semaphore_mem>>)
      %scan3A_237 = arith.constant 0 : i32
      scf.yield %scan3A_237 : i32
    }
    %scan3A_68 = arith.constant 124 : i32
    %dma_wait3A = arith.constant 248 : i32
    %dma_wait3A_69 = arith.constant 0 : i32
    %dma_wait3A_70 = tpu.memref_slice %arg6[%dma_wait3A, %dma_wait3A_69] : memref<250x80xi32, #tpu.memory_space<vmem>> -> memref<1x80xi32, #tpu.memory_space<vmem>>
    %dma_wait3A_71 = tpu.memref_squeeze %dma_wait3A_70 : memref<1x80xi32, #tpu.memory_space<vmem>> -> memref<80xi32, #tpu.memory_space<vmem>>
    %dma_wait3A_72 = arith.constant 0 : i32
    %dma_wait3A_73 = arith.constant 0 : i32
    %dma_wait3A_74 = tpu.memref_slice %arg2[%arg0, %dma_wait3A_72, %dma_wait3A_73] : memref<2x20000x64xf32, #tpu.memory_space<hbm>> -> memref<1x20000x64xf32, #tpu.memory_space<hbm>>
    %dma_wait3A_75 = tpu.memref_squeeze %dma_wait3A_74 : memref<1x20000x64xf32, #tpu.memory_space<hbm>> -> memref<20000x64xf32, #tpu.memory_space<hbm>>
    %dma_wait3A_76 = arith.constant 0 : i32
    %dma_wait3A_77 = arith.constant 0 : i32
    %dma_wait3A_78 = tpu.memref_slice %dma_wait3A_75[%dma_wait3A_76, %dma_wait3A_77] : memref<20000x64xf32, #tpu.memory_space<hbm>> -> memref<20000x64xf32, #tpu.memory_space<hbm>>
    tpu.wait_indirect_dma semaphore(%arg11 : memref<!tpu.dma_semaphore, #tpu.memory_space<semaphore_mem>>) src(%dma_wait3A_78 : memref<20000x64xf32, #tpu.memory_space<hbm>>) dst(%arg8 : memref<80x64xf32, #tpu.memory_space<vmem>>)
    %dma_wait3A_79 = arith.constant 248 : i32
    %dma_wait3A_80 = arith.constant 0 : i32
    %dma_wait3A_81 = arith.constant 0 : i32
    %dma_wait3A_82 = tpu.memref_slice %arg7[%dma_wait3A_80, %dma_wait3A_81] : memref<2x80xi32, #tpu.memory_space<vmem>> -> memref<1x80xi32, #tpu.memory_space<vmem>>
    %dma_wait3A_83 = tpu.memref_squeeze %dma_wait3A_82 : memref<1x80xi32, #tpu.memory_space<vmem>> -> memref<80xi32, #tpu.memory_space<vmem>>
    %dma_wait3A_84 = arith.constant 0 : i32
    %dma_wait3A_85 = tpu.memref_slice %arg4[%arg1, %dma_wait3A_79, %dma_wait3A_84] : memref<16x250x80xi32, #tpu.memory_space<hbm>> -> memref<1x1x80xi32, #tpu.memory_space<hbm>>
    %dma_wait3A_86 = tpu.memref_squeeze %dma_wait3A_85 : memref<1x1x80xi32, #tpu.memory_space<hbm>> -> memref<80xi32, #tpu.memory_space<hbm>>
    %dma_wait3A_87 = arith.constant 0 : i32
    %dma_wait3A_88 = tpu.memref_slice %arg7[%dma_wait3A_80, %dma_wait3A_87] : memref<2x80xi32, #tpu.memory_space<vmem>> -> memref<1x80xi32, #tpu.memory_space<vmem>>
    %dma_wait3A_89 = tpu.memref_squeeze %dma_wait3A_88 : memref<1x80xi32, #tpu.memory_space<vmem>> -> memref<80xi32, #tpu.memory_space<vmem>>
    %dma_wait3A_90 = arith.constant 0 : i32
    %dma_wait3A_91 = tpu.memref_slice %arg4[%arg1, %dma_wait3A_79, %dma_wait3A_90] : memref<16x250x80xi32, #tpu.memory_space<hbm>> -> memref<1x1x80xi32, #tpu.memory_space<hbm>>
    %dma_wait3A_92 = tpu.memref_squeeze %dma_wait3A_91 : memref<1x1x80xi32, #tpu.memory_space<hbm>> -> memref<80xi32, #tpu.memory_space<hbm>>
    tpu.wait_dma2 semaphore(%arg13 : memref<!tpu.dma_semaphore, #tpu.memory_space<semaphore_mem>>) src(%dma_wait3A_92 : memref<80xi32, #tpu.memory_space<hbm>>) dst(%dma_wait3A_89 : memref<80xi32, #tpu.memory_space<vmem>>)
    %run_scoped3A = arith.constant 0 : i32
    "tpu.region"() ({
      %run_scoped3A_127 = tpu.sem_alloc : memref<!tpu.dma_semaphore, #tpu.memory_space<semaphore_mem>>
      %dma_start3A_128 = arith.constant 0 : i32
      %dma_start3A_129 = tpu.memref_slice %arg7[%run_scoped3A, %dma_start3A_128] : memref<2x80xi32, #tpu.memory_space<vmem>> -> memref<1x80xi32, #tpu.memory_space<vmem>>
      %dma_start3A_130 = tpu.memref_squeeze %dma_start3A_129 : memref<1x80xi32, #tpu.memory_space<vmem>> -> memref<80xi32, #tpu.memory_space<vmem>>
      %dma_start3A_131 = arith.constant 0 : i32
      %dma_start3A_132 = arith.constant 0 : i32
      %dma_start3A_133 = tpu.memref_slice %arg10[%dma_start3A_131, %dma_start3A_132] : memref<20000x64xf32, #tpu.memory_space<vmem_shared>> -> memref<20000x64xf32, #tpu.memory_space<vmem_shared>>
      tpu.enqueue_indirect_dma source(%arg8 : memref<80x64xf32, #tpu.memory_space<vmem>>) target(%dma_start3A_133 : memref<20000x64xf32, #tpu.memory_space<vmem_shared>>) offsets(%dma_start3A_130 : memref<80xi32, #tpu.memory_space<vmem>>) semaphore(%run_scoped3A_127 : memref<!tpu.dma_semaphore, #tpu.memory_space<semaphore_mem>>) {add = true}
      %dma_wait3A_134 = arith.constant 0 : i32
      %dma_wait3A_135 = tpu.memref_slice %arg7[%run_scoped3A, %dma_wait3A_134] : memref<2x80xi32, #tpu.memory_space<vmem>> -> memref<1x80xi32, #tpu.memory_space<vmem>>
      %dma_wait3A_136 = tpu.memref_squeeze %dma_wait3A_135 : memref<1x80xi32, #tpu.memory_space<vmem>> -> memref<80xi32, #tpu.memory_space<vmem>>
      %dma_wait3A_137 = arith.constant 0 : i32
      %dma_wait3A_138 = arith.constant 0 : i32
      %dma_wait3A_139 = tpu.memref_slice %arg10[%dma_wait3A_137, %dma_wait3A_138] : memref<20000x64xf32, #tpu.memory_space<vmem_shared>> -> memref<20000x64xf32, #tpu.memory_space<vmem_shared>>
      tpu.wait_indirect_dma semaphore(%run_scoped3A_127 : memref<!tpu.dma_semaphore, #tpu.memory_space<semaphore_mem>>) src(%arg8 : memref<80x64xf32, #tpu.memory_space<vmem>>) dst(%dma_wait3A_139 : memref<20000x64xf32, #tpu.memory_space<vmem_shared>>)
      tpu.yield
    }) : () -> ()
    %dma_wait3A_93 = arith.constant 249 : i32
    %dma_wait3A_94 = arith.constant 0 : i32
    %dma_wait3A_95 = tpu.memref_slice %arg6[%dma_wait3A_93, %dma_wait3A_94] : memref<250x80xi32, #tpu.memory_space<vmem>> -> memref<1x80xi32, #tpu.memory_space<vmem>>
    %dma_wait3A_96 = tpu.memref_squeeze %dma_wait3A_95 : memref<1x80xi32, #tpu.memory_space<vmem>> -> memref<80xi32, #tpu.memory_space<vmem>>
    %dma_wait3A_97 = arith.constant 0 : i32
    %dma_wait3A_98 = arith.constant 0 : i32
    %dma_wait3A_99 = tpu.memref_slice %arg2[%arg0, %dma_wait3A_97, %dma_wait3A_98] : memref<2x20000x64xf32, #tpu.memory_space<hbm>> -> memref<1x20000x64xf32, #tpu.memory_space<hbm>>
    %dma_wait3A_100 = tpu.memref_squeeze %dma_wait3A_99 : memref<1x20000x64xf32, #tpu.memory_space<hbm>> -> memref<20000x64xf32, #tpu.memory_space<hbm>>
    %dma_wait3A_101 = arith.constant 0 : i32
    %dma_wait3A_102 = arith.constant 0 : i32
    %dma_wait3A_103 = tpu.memref_slice %dma_wait3A_100[%dma_wait3A_101, %dma_wait3A_102] : memref<20000x64xf32, #tpu.memory_space<hbm>> -> memref<20000x64xf32, #tpu.memory_space<hbm>>
    tpu.wait_indirect_dma semaphore(%arg12 : memref<!tpu.dma_semaphore, #tpu.memory_space<semaphore_mem>>) src(%dma_wait3A_103 : memref<20000x64xf32, #tpu.memory_space<hbm>>) dst(%arg9 : memref<80x64xf32, #tpu.memory_space<vmem>>)
    %dma_wait3A_104 = arith.constant 249 : i32
    %dma_wait3A_105 = arith.constant 1 : i32
    %dma_wait3A_106 = arith.constant 0 : i32
    %dma_wait3A_107 = tpu.memref_slice %arg7[%dma_wait3A_105, %dma_wait3A_106] : memref<2x80xi32, #tpu.memory_space<vmem>> -> memref<1x80xi32, #tpu.memory_space<vmem>>
    %dma_wait3A_108 = tpu.memref_squeeze %dma_wait3A_107 : memref<1x80xi32, #tpu.memory_space<vmem>> -> memref<80xi32, #tpu.memory_space<vmem>>
    %dma_wait3A_109 = arith.constant 0 : i32
    %dma_wait3A_110 = tpu.memref_slice %arg4[%arg1, %dma_wait3A_104, %dma_wait3A_109] : memref<16x250x80xi32, #tpu.memory_space<hbm>> -> memref<1x1x80xi32, #tpu.memory_space<hbm>>
    %dma_wait3A_111 = tpu.memref_squeeze %dma_wait3A_110 : memref<1x1x80xi32, #tpu.memory_space<hbm>> -> memref<80xi32, #tpu.memory_space<hbm>>
    %dma_wait3A_112 = arith.constant 0 : i32
    %dma_wait3A_113 = tpu.memref_slice %arg7[%dma_wait3A_105, %dma_wait3A_112] : memref<2x80xi32, #tpu.memory_space<vmem>> -> memref<1x80xi32, #tpu.memory_space<vmem>>
    %dma_wait3A_114 = tpu.memref_squeeze %dma_wait3A_113 : memref<1x80xi32, #tpu.memory_space<vmem>> -> memref<80xi32, #tpu.memory_space<vmem>>
    %dma_wait3A_115 = arith.constant 0 : i32
    %dma_wait3A_116 = tpu.memref_slice %arg4[%arg1, %dma_wait3A_104, %dma_wait3A_115] : memref<16x250x80xi32, #tpu.memory_space<hbm>> -> memref<1x1x80xi32, #tpu.memory_space<hbm>>
    %dma_wait3A_117 = tpu.memref_squeeze %dma_wait3A_116 : memref<1x1x80xi32, #tpu.memory_space<hbm>> -> memref<80xi32, #tpu.memory_space<hbm>>
    tpu.wait_dma2 semaphore(%arg14 : memref<!tpu.dma_semaphore, #tpu.memory_space<semaphore_mem>>) src(%dma_wait3A_117 : memref<80xi32, #tpu.memory_space<hbm>>) dst(%dma_wait3A_114 : memref<80xi32, #tpu.memory_space<vmem>>)
    %run_scoped3A_118 = arith.constant 1 : i32
    "tpu.region"() ({
      %run_scoped3A_127 = tpu.sem_alloc : memref<!tpu.dma_semaphore, #tpu.memory_space<semaphore_mem>>
      %dma_start3A_128 = arith.constant 0 : i32
      %dma_start3A_129 = tpu.memref_slice %arg7[%run_scoped3A_118, %dma_start3A_128] : memref<2x80xi32, #tpu.memory_space<vmem>> -> memref<1x80xi32, #tpu.memory_space<vmem>>
      %dma_start3A_130 = tpu.memref_squeeze %dma_start3A_129 : memref<1x80xi32, #tpu.memory_space<vmem>> -> memref<80xi32, #tpu.memory_space<vmem>>
      %dma_start3A_131 = arith.constant 0 : i32
      %dma_start3A_132 = arith.constant 0 : i32
      %dma_start3A_133 = tpu.memref_slice %arg10[%dma_start3A_131, %dma_start3A_132] : memref<20000x64xf32, #tpu.memory_space<vmem_shared>> -> memref<20000x64xf32, #tpu.memory_space<vmem_shared>>
      tpu.enqueue_indirect_dma source(%arg9 : memref<80x64xf32, #tpu.memory_space<vmem>>) target(%dma_start3A_133 : memref<20000x64xf32, #tpu.memory_space<vmem_shared>>) offsets(%dma_start3A_130 : memref<80xi32, #tpu.memory_space<vmem>>) semaphore(%run_scoped3A_127 : memref<!tpu.dma_semaphore, #tpu.memory_space<semaphore_mem>>) {add = true}
      %dma_wait3A_134 = arith.constant 0 : i32
      %dma_wait3A_135 = tpu.memref_slice %arg7[%run_scoped3A_118, %dma_wait3A_134] : memref<2x80xi32, #tpu.memory_space<vmem>> -> memref<1x80xi32, #tpu.memory_space<vmem>>
      %dma_wait3A_136 = tpu.memref_squeeze %dma_wait3A_135 : memref<1x80xi32, #tpu.memory_space<vmem>> -> memref<80xi32, #tpu.memory_space<vmem>>
      %dma_wait3A_137 = arith.constant 0 : i32
      %dma_wait3A_138 = arith.constant 0 : i32
      %dma_wait3A_139 = tpu.memref_slice %arg10[%dma_wait3A_137, %dma_wait3A_138] : memref<20000x64xf32, #tpu.memory_space<vmem_shared>> -> memref<20000x64xf32, #tpu.memory_space<vmem_shared>>
      tpu.wait_indirect_dma semaphore(%run_scoped3A_127 : memref<!tpu.dma_semaphore, #tpu.memory_space<semaphore_mem>>) src(%arg9 : memref<80x64xf32, #tpu.memory_space<vmem>>) dst(%dma_wait3A_139 : memref<20000x64xf32, #tpu.memory_space<vmem_shared>>)
      tpu.yield
    }) : () -> ()
    %barrier3A_119 = arith.constant 0 : index
    tpu.barrier barrier_id(%barrier3A_119)
    %scan3A_120 = arith.constant 0 : i32
    %scan3A_121 = arith.constant 0 : i32
    %scan3A_122 = arith.constant 25 : i32
    %scan3A_123 = arith.addi %scan3A_121, %scan3A_122 : i32
    %scan3A_124 = arith.constant 1 : i32
    %scan3A_125 = scf.for %scan3A_127 = %scan3A_121 to %scan3A_123 step %scan3A_124 iter_args(%scan3A_128 = %scan3A_120) -> (i32)  : i32 {
      %mul3A = arith.constant 1250 : i32
      %mul3A_129 = arith.muli %arg1, %mul3A : i32
      %mul3A_130 = arith.constant 50 : i32
      %mul3A_131 = arith.muli %scan3A_127, %mul3A_130 : i32
      %add3A = arith.addi %mul3A_129, %mul3A_131 : i32
      "tpu.region"() ({
        %run_scoped3A_133 = tpu.sem_alloc : memref<!tpu.dma_semaphore, #tpu.memory_space<semaphore_mem>>
        %dma_start3A_134 = arith.constant 0 : i32
        %dma_start3A_135 = tpu.memref_slice %arg5[%arg0, %add3A, %dma_start3A_134] : memref<2x20000x64xf32, #tpu.memory_space<hbm>> -> memref<1x50x64xf32, #tpu.memory_space<hbm>>
        %dma_start3A_136 = tpu.memref_squeeze %dma_start3A_135 : memref<1x50x64xf32, #tpu.memory_space<hbm>> -> memref<50x64xf32, #tpu.memory_space<hbm>>
        %dma_start3A_137 = arith.constant 0 : i32
        %dma_start3A_138 = tpu.memref_slice %arg10[%add3A, %dma_start3A_137] : memref<20000x64xf32, #tpu.memory_space<vmem_shared>> -> memref<50x64xf32, #tpu.memory_space<vmem_shared>>
        tpu.enqueue_dma source(%dma_start3A_138 : memref<50x64xf32, #tpu.memory_space<vmem_shared>>) target(%dma_start3A_136 : memref<50x64xf32, #tpu.memory_space<hbm>>) target_semaphore(%run_scoped3A_133 : memref<!tpu.dma_semaphore, #tpu.memory_space<semaphore_mem>>)
        %dma_wait3A_139 = arith.constant 0 : i32
        %dma_wait3A_140 = tpu.memref_slice %arg5[%arg0, %add3A, %dma_wait3A_139] : memref<2x20000x64xf32, #tpu.memory_space<hbm>> -> memref<1x50x64xf32, #tpu.memory_space<hbm>>
        %dma_wait3A_141 = tpu.memref_squeeze %dma_wait3A_140 : memref<1x50x64xf32, #tpu.memory_space<hbm>> -> memref<50x64xf32, #tpu.memory_space<hbm>>
        %dma_wait3A_142 = arith.constant 0 : i32
        %dma_wait3A_143 = tpu.memref_slice %arg10[%add3A, %dma_wait3A_142] : memref<20000x64xf32, #tpu.memory_space<vmem_shared>> -> memref<50x64xf32, #tpu.memory_space<vmem_shared>>
        tpu.wait_dma2 semaphore(%run_scoped3A_133 : memref<!tpu.dma_semaphore, #tpu.memory_space<semaphore_mem>>) src(%dma_wait3A_143 : memref<50x64xf32, #tpu.memory_space<vmem_shared>>) dst(%dma_wait3A_141 : memref<50x64xf32, #tpu.memory_space<hbm>>)
        tpu.yield
      }) : () -> ()
      %scan3A_132 = arith.constant 0 : i32
      scf.yield %scan3A_132 : i32
    }
    %scan3A_126 = arith.constant 25 : i32
    return
  }
}

#map = affine_map<(d0, d1) -> (0)>
#map1 = affine_map<(d0, d1) -> (0, 0, 0, 0)>
#map2 = affine_map<(d0, d1) -> (0, 0)>
#map3 = affine_map<(d0, d1) -> (0, 0, 0)>
module attributes {stable_mosaic.version = 14 : i64} {
  func.func @_edge_pass_a(%arg0: i32, %arg1: i32, %arg2: memref<10000xf32, #tpu.memory_space<hbm>>, %arg3: memref<10000xf32, #tpu.memory_space<hbm>>, %arg4: memref<2x32x125x80xi32, #tpu.memory_space<hbm>>, %arg5: memref<16xf32, #tpu.memory_space<hbm>>, %arg6: memref<2x10240xf32, #tpu.memory_space<hbm>>, %arg7: memref<32x125x80xi32, #tpu.memory_space<hbm>>, %arg8: memref<32x125x80xi32, #tpu.memory_space<hbm>>, %arg9: memref<10000xf32, #tpu.memory_space<vmem>>, %arg10: memref<10000xf32, #tpu.memory_space<vmem>>, %arg11: memref<125x80xi32, #tpu.memory_space<vmem>>, %arg12: memref<125x80xi32, #tpu.memory_space<vmem>>, %arg13: memref<125x80xf32, #tpu.memory_space<vmem>>, %arg14: memref<125x80xi32, #tpu.memory_space<vmem>>, %arg15: memref<125x80xi32, #tpu.memory_space<vmem>>, %arg16: memref<16xf32, #tpu.memory_space<vmem>>, %arg17: memref<640xf32, #tpu.memory_space<vmem>>, %arg18: memref<10240xf32, #tpu.memory_space<vmem_shared>>) attributes {dimension_semantics = [#tpu.dimension_semantics<core_parallel>, #tpu.dimension_semantics<subcore_parallel>], iteration_bounds = array<i64: 2, 16>, scalar_prefetch = 0 : i64, scratch_operands = 10 : i64, tpu.core_type = #tpu.core_type<sc_vector_subcore>, window_params = [{transform_indices = #map}, {transform_indices = #map}, {transform_indices = #map1}, {transform_indices = #map}, {transform_indices = #map2}, {transform_indices = #map3}, {transform_indices = #map3}]} {
    %mul3A = arith.constant 16 : i32
    %mul3A_0 = arith.muli %arg0, %mul3A : i32
    %add3A = arith.addi %mul3A_0, %arg1 : i32
    "tpu.region"() ({
      %run_scoped3A_23 = tpu.sem_alloc : memref<!tpu.dma_semaphore, #tpu.memory_space<semaphore_mem>>
      tpu.enqueue_dma source(%arg2 : memref<10000xf32, #tpu.memory_space<hbm>>) target(%arg9 : memref<10000xf32, #tpu.memory_space<vmem>>) target_semaphore(%run_scoped3A_23 : memref<!tpu.dma_semaphore, #tpu.memory_space<semaphore_mem>>)
      tpu.wait_dma2 semaphore(%run_scoped3A_23 : memref<!tpu.dma_semaphore, #tpu.memory_space<semaphore_mem>>) src(%arg2 : memref<10000xf32, #tpu.memory_space<hbm>>) dst(%arg9 : memref<10000xf32, #tpu.memory_space<vmem>>)
      tpu.yield
    }) : () -> ()
    "tpu.region"() ({
      %run_scoped3A_23 = tpu.sem_alloc : memref<!tpu.dma_semaphore, #tpu.memory_space<semaphore_mem>>
      tpu.enqueue_dma source(%arg3 : memref<10000xf32, #tpu.memory_space<hbm>>) target(%arg10 : memref<10000xf32, #tpu.memory_space<vmem>>) target_semaphore(%run_scoped3A_23 : memref<!tpu.dma_semaphore, #tpu.memory_space<semaphore_mem>>)
      tpu.wait_dma2 semaphore(%run_scoped3A_23 : memref<!tpu.dma_semaphore, #tpu.memory_space<semaphore_mem>>) src(%arg3 : memref<10000xf32, #tpu.memory_space<hbm>>) dst(%arg10 : memref<10000xf32, #tpu.memory_space<vmem>>)
      tpu.yield
    }) : () -> ()
    %run_scoped3A = arith.constant 0 : i32
    "tpu.region"() ({
      %run_scoped3A_23 = tpu.sem_alloc : memref<!tpu.dma_semaphore, #tpu.memory_space<semaphore_mem>>
      %dma_start3A = arith.constant 0 : i32
      %dma_start3A_24 = arith.constant 0 : i32
      %dma_start3A_25 = tpu.memref_slice %arg4[%run_scoped3A, %add3A, %dma_start3A, %dma_start3A_24] : memref<2x32x125x80xi32, #tpu.memory_space<hbm>> -> memref<1x1x125x80xi32, #tpu.memory_space<hbm>>
      %dma_start3A_26 = tpu.memref_squeeze %dma_start3A_25 : memref<1x1x125x80xi32, #tpu.memory_space<hbm>> -> memref<125x80xi32, #tpu.memory_space<hbm>>
      %dma_start3A_27 = arith.constant 0 : i32
      %dma_start3A_28 = arith.constant 0 : i32
      %dma_start3A_29 = tpu.memref_slice %arg4[%run_scoped3A, %add3A, %dma_start3A_27, %dma_start3A_28] : memref<2x32x125x80xi32, #tpu.memory_space<hbm>> -> memref<1x1x125x80xi32, #tpu.memory_space<hbm>>
      %dma_start3A_30 = tpu.memref_squeeze %dma_start3A_29 : memref<1x1x125x80xi32, #tpu.memory_space<hbm>> -> memref<125x80xi32, #tpu.memory_space<hbm>>
      tpu.enqueue_dma source(%dma_start3A_30 : memref<125x80xi32, #tpu.memory_space<hbm>>) target(%arg11 : memref<125x80xi32, #tpu.memory_space<vmem>>) target_semaphore(%run_scoped3A_23 : memref<!tpu.dma_semaphore, #tpu.memory_space<semaphore_mem>>)
      %dma_wait3A = arith.constant 0 : i32
      %dma_wait3A_31 = arith.constant 0 : i32
      %dma_wait3A_32 = tpu.memref_slice %arg4[%run_scoped3A, %add3A, %dma_wait3A, %dma_wait3A_31] : memref<2x32x125x80xi32, #tpu.memory_space<hbm>> -> memref<1x1x125x80xi32, #tpu.memory_space<hbm>>
      %dma_wait3A_33 = tpu.memref_squeeze %dma_wait3A_32 : memref<1x1x125x80xi32, #tpu.memory_space<hbm>> -> memref<125x80xi32, #tpu.memory_space<hbm>>
      %dma_wait3A_34 = arith.constant 0 : i32
      %dma_wait3A_35 = arith.constant 0 : i32
      %dma_wait3A_36 = tpu.memref_slice %arg4[%run_scoped3A, %add3A, %dma_wait3A_34, %dma_wait3A_35] : memref<2x32x125x80xi32, #tpu.memory_space<hbm>> -> memref<1x1x125x80xi32, #tpu.memory_space<hbm>>
      %dma_wait3A_37 = tpu.memref_squeeze %dma_wait3A_36 : memref<1x1x125x80xi32, #tpu.memory_space<hbm>> -> memref<125x80xi32, #tpu.memory_space<hbm>>
      tpu.wait_dma2 semaphore(%run_scoped3A_23 : memref<!tpu.dma_semaphore, #tpu.memory_space<semaphore_mem>>) src(%dma_wait3A_37 : memref<125x80xi32, #tpu.memory_space<hbm>>) dst(%arg11 : memref<125x80xi32, #tpu.memory_space<vmem>>)
      tpu.yield
    }) : () -> ()
    %run_scoped3A_1 = arith.constant 1 : i32
    "tpu.region"() ({
      %run_scoped3A_23 = tpu.sem_alloc : memref<!tpu.dma_semaphore, #tpu.memory_space<semaphore_mem>>
      %dma_start3A = arith.constant 0 : i32
      %dma_start3A_24 = arith.constant 0 : i32
      %dma_start3A_25 = tpu.memref_slice %arg4[%run_scoped3A_1, %add3A, %dma_start3A, %dma_start3A_24] : memref<2x32x125x80xi32, #tpu.memory_space<hbm>> -> memref<1x1x125x80xi32, #tpu.memory_space<hbm>>
      %dma_start3A_26 = tpu.memref_squeeze %dma_start3A_25 : memref<1x1x125x80xi32, #tpu.memory_space<hbm>> -> memref<125x80xi32, #tpu.memory_space<hbm>>
      %dma_start3A_27 = arith.constant 0 : i32
      %dma_start3A_28 = arith.constant 0 : i32
      %dma_start3A_29 = tpu.memref_slice %arg4[%run_scoped3A_1, %add3A, %dma_start3A_27, %dma_start3A_28] : memref<2x32x125x80xi32, #tpu.memory_space<hbm>> -> memref<1x1x125x80xi32, #tpu.memory_space<hbm>>
      %dma_start3A_30 = tpu.memref_squeeze %dma_start3A_29 : memref<1x1x125x80xi32, #tpu.memory_space<hbm>> -> memref<125x80xi32, #tpu.memory_space<hbm>>
      tpu.enqueue_dma source(%dma_start3A_30 : memref<125x80xi32, #tpu.memory_space<hbm>>) target(%arg12 : memref<125x80xi32, #tpu.memory_space<vmem>>) target_semaphore(%run_scoped3A_23 : memref<!tpu.dma_semaphore, #tpu.memory_space<semaphore_mem>>)
      %dma_wait3A = arith.constant 0 : i32
      %dma_wait3A_31 = arith.constant 0 : i32
      %dma_wait3A_32 = tpu.memref_slice %arg4[%run_scoped3A_1, %add3A, %dma_wait3A, %dma_wait3A_31] : memref<2x32x125x80xi32, #tpu.memory_space<hbm>> -> memref<1x1x125x80xi32, #tpu.memory_space<hbm>>
      %dma_wait3A_33 = tpu.memref_squeeze %dma_wait3A_32 : memref<1x1x125x80xi32, #tpu.memory_space<hbm>> -> memref<125x80xi32, #tpu.memory_space<hbm>>
      %dma_wait3A_34 = arith.constant 0 : i32
      %dma_wait3A_35 = arith.constant 0 : i32
      %dma_wait3A_36 = tpu.memref_slice %arg4[%run_scoped3A_1, %add3A, %dma_wait3A_34, %dma_wait3A_35] : memref<2x32x125x80xi32, #tpu.memory_space<hbm>> -> memref<1x1x125x80xi32, #tpu.memory_space<hbm>>
      %dma_wait3A_37 = tpu.memref_squeeze %dma_wait3A_36 : memref<1x1x125x80xi32, #tpu.memory_space<hbm>> -> memref<125x80xi32, #tpu.memory_space<hbm>>
      tpu.wait_dma2 semaphore(%run_scoped3A_23 : memref<!tpu.dma_semaphore, #tpu.memory_space<semaphore_mem>>) src(%dma_wait3A_37 : memref<125x80xi32, #tpu.memory_space<hbm>>) dst(%arg12 : memref<125x80xi32, #tpu.memory_space<vmem>>)
      tpu.yield
    }) : () -> ()
    "tpu.region"() ({
      %run_scoped3A_23 = tpu.sem_alloc : memref<!tpu.dma_semaphore, #tpu.memory_space<semaphore_mem>>
      tpu.enqueue_dma source(%arg5 : memref<16xf32, #tpu.memory_space<hbm>>) target(%arg16 : memref<16xf32, #tpu.memory_space<vmem>>) target_semaphore(%run_scoped3A_23 : memref<!tpu.dma_semaphore, #tpu.memory_space<semaphore_mem>>)
      tpu.wait_dma2 semaphore(%run_scoped3A_23 : memref<!tpu.dma_semaphore, #tpu.memory_space<semaphore_mem>>) src(%arg5 : memref<16xf32, #tpu.memory_space<hbm>>) dst(%arg16 : memref<16xf32, #tpu.memory_space<vmem>>)
      tpu.yield
    }) : () -> ()
    %scan3A = arith.constant 0 : i32
    %scan3A_2 = arith.constant 0 : i32
    %scan3A_3 = arith.constant 40 : i32
    %scan3A_4 = arith.addi %scan3A_2, %scan3A_3 : i32
    %scan3A_5 = arith.constant 1 : i32
    %scan3A_6 = scf.for %scan3A_23 = %scan3A_2 to %scan3A_4 step %scan3A_5 iter_args(%scan3A_24 = %scan3A) -> (i32)  : i32 {
      %broadcast_in_dim3A = arith.constant 0.000000e+00 : f32
      %broadcast_in_dim3A_25 = vector.broadcast %broadcast_in_dim3A : f32 to vector<16xf32>
      %mul3A_26 = arith.constant 16 : i32
      %mul3A_27 = arith.muli %scan3A_23, %mul3A_26 : i32
      %swap3A = arith.index_cast %mul3A_27 : i32 to index
      %swap3A_28 = tpu.vector_load %arg17[%swap3A] {strides = array<i32>} : memref<640xf32, #tpu.memory_space<vmem>>, vector<16xf32>,
      tpu.vector_store %arg17[%swap3A], %broadcast_in_dim3A_25 {strides = array<i32>} : memref<640xf32, #tpu.memory_space<vmem>>, vector<16xf32>,
      %scan3A_29 = arith.constant 0 : i32
      scf.yield %scan3A_29 : i32
    }
    %scan3A_7 = arith.constant 40 : i32
    %mul3A_8 = arith.constant 640 : i32
    %mul3A_9 = arith.muli %arg1, %mul3A_8 : i32
    "tpu.region"() ({
      %run_scoped3A_23 = tpu.sem_alloc : memref<!tpu.dma_semaphore, #tpu.memory_space<semaphore_mem>>
      %dma_start3A = tpu.memref_slice %arg18[%mul3A_9] : memref<10240xf32, #tpu.memory_space<vmem_shared>> -> memref<640xf32, #tpu.memory_space<vmem_shared>>
      %dma_start3A_24 = tpu.memref_slice %arg18[%mul3A_9] : memref<10240xf32, #tpu.memory_space<vmem_shared>> -> memref<640xf32, #tpu.memory_space<vmem_shared>>
      tpu.enqueue_dma source(%arg17 : memref<640xf32, #tpu.memory_space<vmem>>) target(%dma_start3A_24 : memref<640xf32, #tpu.memory_space<vmem_shared>>) target_semaphore(%run_scoped3A_23 : memref<!tpu.dma_semaphore, #tpu.memory_space<semaphore_mem>>)
      %dma_wait3A = tpu.memref_slice %arg18[%mul3A_9] : memref<10240xf32, #tpu.memory_space<vmem_shared>> -> memref<640xf32, #tpu.memory_space<vmem_shared>>
      %dma_wait3A_25 = tpu.memref_slice %arg18[%mul3A_9] : memref<10240xf32, #tpu.memory_space<vmem_shared>> -> memref<640xf32, #tpu.memory_space<vmem_shared>>
      tpu.wait_dma2 semaphore(%run_scoped3A_23 : memref<!tpu.dma_semaphore, #tpu.memory_space<semaphore_mem>>) src(%arg17 : memref<640xf32, #tpu.memory_space<vmem>>) dst(%dma_wait3A_25 : memref<640xf32, #tpu.memory_space<vmem_shared>>)
      tpu.yield
    }) : () -> ()
    %barrier3A = arith.constant 0 : index
    tpu.barrier barrier_id(%barrier3A)
    %get3A = arith.constant 0 : index
    %get3A_10 = tpu.vector_load %arg16[%get3A] {strides = array<i32>} : memref<16xf32, #tpu.memory_space<vmem>>, vector<16xf32>,
    %scan3A_11 = arith.constant 0 : i32
    %scan3A_12 = arith.constant 0 : i32
    %scan3A_13 = arith.constant 125 : i32
    %scan3A_14 = arith.addi %scan3A_12, %scan3A_13 : i32
    %scan3A_15 = arith.constant 1 : i32
    %scan3A_16 = scf.for %scan3A_23 = %scan3A_12 to %scan3A_14 step %scan3A_15 iter_args(%scan3A_24 = %scan3A_11) -> (i32)  : i32 {
      %get3A_25 = arith.index_cast %scan3A_23 : i32 to index
      %get3A_26 = arith.constant 0 : index
      %get3A_27 = tpu.vector_load %arg11[%get3A_25, %get3A_26] {strides = array<i32>} : memref<125x80xi32, #tpu.memory_space<vmem>>, vector<16xi32>,
      %get3A_28 = arith.index_cast %scan3A_23 : i32 to index
      %get3A_29 = arith.constant 0 : index
      %get3A_30 = tpu.vector_load %arg12[%get3A_28, %get3A_29] {strides = array<i32>} : memref<125x80xi32, #tpu.memory_space<vmem>>, vector<16xi32>,
      %gather3A = tpu.vector_load_idx %arg9[%get3A_27] : memref<10000xf32, #tpu.memory_space<vmem>>[vector<16xi32>], vector<16xf32>,
      %gather3A_31 = tpu.vector_load_idx %arg10[%get3A_30] : memref<10000xf32, #tpu.memory_space<vmem>>[vector<16xi32>], vector<16xf32>,
      %add3A_32 = arith.addf %gather3A, %gather3A_31 : vector<16xf32>
      %lt3A = arith.constant 0.000000e+00 : f32
      %lt3A_33 = vector.broadcast %lt3A : f32 to vector<16xf32>
      %lt3A_34 = arith.cmpf olt, %add3A_32, %lt3A_33 : vector<16xf32>
      %add3A_35 = arith.constant 10000 : i32
      %add3A_36 = vector.broadcast %add3A_35 : i32 to vector<16xi32>
      %add3A_37 = arith.addi %get3A_27, %add3A_36 : vector<16xi32>
      %select_n3A = arith.select %lt3A_34, %add3A_37, %get3A_27 : vector<16xi1>, vector<16xi32>
      %swap3A = arith.index_cast %scan3A_23 : i32 to index
      %swap3A_38 = arith.constant 0 : index
      %swap3A_39 = tpu.vector_load %arg14[%swap3A, %swap3A_38] {strides = array<i32>} : memref<125x80xi32, #tpu.memory_space<vmem>>, vector<16xi32>,
      tpu.vector_store %arg14[%swap3A, %swap3A_38], %select_n3A {strides = array<i32>} : memref<125x80xi32, #tpu.memory_space<vmem>>, vector<16xi32>,
      %add3A_40 = arith.constant 10000 : i32
      %add3A_41 = vector.broadcast %add3A_40 : i32 to vector<16xi32>
      %add3A_42 = arith.addi %get3A_30, %add3A_41 : vector<16xi32>
      %select_n3A_43 = arith.select %lt3A_34, %add3A_42, %get3A_30 : vector<16xi1>, vector<16xi32>
      %swap3A_44 = arith.index_cast %scan3A_23 : i32 to index
      %swap3A_45 = arith.constant 0 : index
      %swap3A_46 = tpu.vector_load %arg15[%swap3A_44, %swap3A_45] {strides = array<i32>} : memref<125x80xi32, #tpu.memory_space<vmem>>, vector<16xi32>,
      tpu.vector_store %arg15[%swap3A_44, %swap3A_45], %select_n3A_43 {strides = array<i32>} : memref<125x80xi32, #tpu.memory_space<vmem>>, vector<16xi32>,
      %mul3A_47 = arith.constant 2.000000e-01 : f32
      %mul3A_48 = vector.broadcast %mul3A_47 : f32 to vector<16xf32>
      %mul3A_49 = arith.mulf %add3A_32, %mul3A_48 : vector<16xf32>
      %select_n3A_50 = arith.select %lt3A_34, %mul3A_49, %add3A_32 : vector<16xi1>, vector<16xf32>
      %sub3A = arith.subf %select_n3A_50, %get3A_10 : vector<16xf32>
      %exp3A = math.exp %sub3A : vector<16xf32>
      %swap3A_51 = arith.index_cast %scan3A_23 : i32 to index
      %swap3A_52 = arith.constant 0 : index
      %swap3A_53 = tpu.vector_load %arg13[%swap3A_51, %swap3A_52] {strides = array<i32>} : memref<125x80xf32, #tpu.memory_space<vmem>>, vector<16xf32>,
      tpu.vector_store %arg13[%swap3A_51, %swap3A_52], %exp3A {strides = array<i32>} : memref<125x80xf32, #tpu.memory_space<vmem>>, vector<16xf32>,
      %get3A_54 = arith.index_cast %scan3A_23 : i32 to index
      %get3A_55 = arith.constant 16 : index
      %get3A_56 = tpu.vector_load %arg11[%get3A_54, %get3A_55] {strides = array<i32>} : memref<125x80xi32, #tpu.memory_space<vmem>>, vector<16xi32>,
      %get3A_57 = arith.index_cast %scan3A_23 : i32 to index
      %get3A_58 = arith.constant 16 : index
      %get3A_59 = tpu.vector_load %arg12[%get3A_57, %get3A_58] {strides = array<i32>} : memref<125x80xi32, #tpu.memory_space<vmem>>, vector<16xi32>,
      %gather3A_60 = tpu.vector_load_idx %arg9[%get3A_56] : memref<10000xf32, #tpu.memory_space<vmem>>[vector<16xi32>], vector<16xf32>,
      %gather3A_61 = tpu.vector_load_idx %arg10[%get3A_59] : memref<10000xf32, #tpu.memory_space<vmem>>[vector<16xi32>], vector<16xf32>,
      %add3A_62 = arith.addf %gather3A_60, %gather3A_61 : vector<16xf32>
      %lt3A_63 = arith.constant 0.000000e+00 : f32
      %lt3A_64 = vector.broadcast %lt3A_63 : f32 to vector<16xf32>
      %lt3A_65 = arith.cmpf olt, %add3A_62, %lt3A_64 : vector<16xf32>
      %add3A_66 = arith.constant 10000 : i32
      %add3A_67 = vector.broadcast %add3A_66 : i32 to vector<16xi32>
      %add3A_68 = arith.addi %get3A_56, %add3A_67 : vector<16xi32>
      %select_n3A_69 = arith.select %lt3A_65, %add3A_68, %get3A_56 : vector<16xi1>, vector<16xi32>
      %swap3A_70 = arith.index_cast %scan3A_23 : i32 to index
      %swap3A_71 = arith.constant 16 : index
      %swap3A_72 = tpu.vector_load %arg14[%swap3A_70, %swap3A_71] {strides = array<i32>} : memref<125x80xi32, #tpu.memory_space<vmem>>, vector<16xi32>,
      tpu.vector_store %arg14[%swap3A_70, %swap3A_71], %select_n3A_69 {strides = array<i32>} : memref<125x80xi32, #tpu.memory_space<vmem>>, vector<16xi32>,
      %add3A_73 = arith.constant 10000 : i32
      %add3A_74 = vector.broadcast %add3A_73 : i32 to vector<16xi32>
      %add3A_75 = arith.addi %get3A_59, %add3A_74 : vector<16xi32>
      %select_n3A_76 = arith.select %lt3A_65, %add3A_75, %get3A_59 : vector<16xi1>, vector<16xi32>
      %swap3A_77 = arith.index_cast %scan3A_23 : i32 to index
      %swap3A_78 = arith.constant 16 : index
      %swap3A_79 = tpu.vector_load %arg15[%swap3A_77, %swap3A_78] {strides = array<i32>} : memref<125x80xi32, #tpu.memory_space<vmem>>, vector<16xi32>,
      tpu.vector_store %arg15[%swap3A_77, %swap3A_78], %select_n3A_76 {strides = array<i32>} : memref<125x80xi32, #tpu.memory_space<vmem>>, vector<16xi32>,
      %mul3A_80 = arith.constant 2.000000e-01 : f32
      %mul3A_81 = vector.broadcast %mul3A_80 : f32 to vector<16xf32>
      %mul3A_82 = arith.mulf %add3A_62, %mul3A_81 : vector<16xf32>
      %select_n3A_83 = arith.select %lt3A_65, %mul3A_82, %add3A_62 : vector<16xi1>, vector<16xf32>
      %sub3A_84 = arith.subf %select_n3A_83, %get3A_10 : vector<16xf32>
      %exp3A_85 = math.exp %sub3A_84 : vector<16xf32>
      %swap3A_86 = arith.index_cast %scan3A_23 : i32 to index
      %swap3A_87 = arith.constant 16 : index
      %swap3A_88 = tpu.vector_load %arg13[%swap3A_86, %swap3A_87] {strides = array<i32>} : memref<125x80xf32, #tpu.memory_space<vmem>>, vector<16xf32>,
      tpu.vector_store %arg13[%swap3A_86, %swap3A_87], %exp3A_85 {strides = array<i32>} : memref<125x80xf32, #tpu.memory_space<vmem>>, vector<16xf32>,
      %get3A_89 = arith.index_cast %scan3A_23 : i32 to index
      %get3A_90 = arith.constant 32 : index
      %get3A_91 = tpu.vector_load %arg11[%get3A_89, %get3A_90] {strides = array<i32>} : memref<125x80xi32, #tpu.memory_space<vmem>>, vector<16xi32>,
      %get3A_92 = arith.index_cast %scan3A_23 : i32 to index
      %get3A_93 = arith.constant 32 : index
      %get3A_94 = tpu.vector_load %arg12[%get3A_92, %get3A_93] {strides = array<i32>} : memref<125x80xi32, #tpu.memory_space<vmem>>, vector<16xi32>,
      %gather3A_95 = tpu.vector_load_idx %arg9[%get3A_91] : memref<10000xf32, #tpu.memory_space<vmem>>[vector<16xi32>], vector<16xf32>,
      %gather3A_96 = tpu.vector_load_idx %arg10[%get3A_94] : memref<10000xf32, #tpu.memory_space<vmem>>[vector<16xi32>], vector<16xf32>,
      %add3A_97 = arith.addf %gather3A_95, %gather3A_96 : vector<16xf32>
      %lt3A_98 = arith.constant 0.000000e+00 : f32
      %lt3A_99 = vector.broadcast %lt3A_98 : f32 to vector<16xf32>
      %lt3A_100 = arith.cmpf olt, %add3A_97, %lt3A_99 : vector<16xf32>
      %add3A_101 = arith.constant 10000 : i32
      %add3A_102 = vector.broadcast %add3A_101 : i32 to vector<16xi32>
      %add3A_103 = arith.addi %get3A_91, %add3A_102 : vector<16xi32>
      %select_n3A_104 = arith.select %lt3A_100, %add3A_103, %get3A_91 : vector<16xi1>, vector<16xi32>
      %swap3A_105 = arith.index_cast %scan3A_23 : i32 to index
      %swap3A_106 = arith.constant 32 : index
      %swap3A_107 = tpu.vector_load %arg14[%swap3A_105, %swap3A_106] {strides = array<i32>} : memref<125x80xi32, #tpu.memory_space<vmem>>, vector<16xi32>,
      tpu.vector_store %arg14[%swap3A_105, %swap3A_106], %select_n3A_104 {strides = array<i32>} : memref<125x80xi32, #tpu.memory_space<vmem>>, vector<16xi32>,
      %add3A_108 = arith.constant 10000 : i32
      %add3A_109 = vector.broadcast %add3A_108 : i32 to vector<16xi32>
      %add3A_110 = arith.addi %get3A_94, %add3A_109 : vector<16xi32>
      %select_n3A_111 = arith.select %lt3A_100, %add3A_110, %get3A_94 : vector<16xi1>, vector<16xi32>
      %swap3A_112 = arith.index_cast %scan3A_23 : i32 to index
      %swap3A_113 = arith.constant 32 : index
      %swap3A_114 = tpu.vector_load %arg15[%swap3A_112, %swap3A_113] {strides = array<i32>} : memref<125x80xi32, #tpu.memory_space<vmem>>, vector<16xi32>,
      tpu.vector_store %arg15[%swap3A_112, %swap3A_113], %select_n3A_111 {strides = array<i32>} : memref<125x80xi32, #tpu.memory_space<vmem>>, vector<16xi32>,
      %mul3A_115 = arith.constant 2.000000e-01 : f32
      %mul3A_116 = vector.broadcast %mul3A_115 : f32 to vector<16xf32>
      %mul3A_117 = arith.mulf %add3A_97, %mul3A_116 : vector<16xf32>
      %select_n3A_118 = arith.select %lt3A_100, %mul3A_117, %add3A_97 : vector<16xi1>, vector<16xf32>
      %sub3A_119 = arith.subf %select_n3A_118, %get3A_10 : vector<16xf32>
      %exp3A_120 = math.exp %sub3A_119 : vector<16xf32>
      %swap3A_121 = arith.index_cast %scan3A_23 : i32 to index
      %swap3A_122 = arith.constant 32 : index
      %swap3A_123 = tpu.vector_load %arg13[%swap3A_121, %swap3A_122] {strides = array<i32>} : memref<125x80xf32, #tpu.memory_space<vmem>>, vector<16xf32>,
      tpu.vector_store %arg13[%swap3A_121, %swap3A_122], %exp3A_120 {strides = array<i32>} : memref<125x80xf32, #tpu.memory_space<vmem>>, vector<16xf32>,
      %get3A_124 = arith.index_cast %scan3A_23 : i32 to index
      %get3A_125 = arith.constant 48 : index
      %get3A_126 = tpu.vector_load %arg11[%get3A_124, %get3A_125] {strides = array<i32>} : memref<125x80xi32, #tpu.memory_space<vmem>>, vector<16xi32>,
      %get3A_127 = arith.index_cast %scan3A_23 : i32 to index
      %get3A_128 = arith.constant 48 : index
      %get3A_129 = tpu.vector_load %arg12[%get3A_127, %get3A_128] {strides = array<i32>} : memref<125x80xi32, #tpu.memory_space<vmem>>, vector<16xi32>,
      %gather3A_130 = tpu.vector_load_idx %arg9[%get3A_126] : memref<10000xf32, #tpu.memory_space<vmem>>[vector<16xi32>], vector<16xf32>,
      %gather3A_131 = tpu.vector_load_idx %arg10[%get3A_129] : memref<10000xf32, #tpu.memory_space<vmem>>[vector<16xi32>], vector<16xf32>,
      %add3A_132 = arith.addf %gather3A_130, %gather3A_131 : vector<16xf32>
      %lt3A_133 = arith.constant 0.000000e+00 : f32
      %lt3A_134 = vector.broadcast %lt3A_133 : f32 to vector<16xf32>
      %lt3A_135 = arith.cmpf olt, %add3A_132, %lt3A_134 : vector<16xf32>
      %add3A_136 = arith.constant 10000 : i32
      %add3A_137 = vector.broadcast %add3A_136 : i32 to vector<16xi32>
      %add3A_138 = arith.addi %get3A_126, %add3A_137 : vector<16xi32>
      %select_n3A_139 = arith.select %lt3A_135, %add3A_138, %get3A_126 : vector<16xi1>, vector<16xi32>
      %swap3A_140 = arith.index_cast %scan3A_23 : i32 to index
      %swap3A_141 = arith.constant 48 : index
      %swap3A_142 = tpu.vector_load %arg14[%swap3A_140, %swap3A_141] {strides = array<i32>} : memref<125x80xi32, #tpu.memory_space<vmem>>, vector<16xi32>,
      tpu.vector_store %arg14[%swap3A_140, %swap3A_141], %select_n3A_139 {strides = array<i32>} : memref<125x80xi32, #tpu.memory_space<vmem>>, vector<16xi32>,
      %add3A_143 = arith.constant 10000 : i32
      %add3A_144 = vector.broadcast %add3A_143 : i32 to vector<16xi32>
      %add3A_145 = arith.addi %get3A_129, %add3A_144 : vector<16xi32>
      %select_n3A_146 = arith.select %lt3A_135, %add3A_145, %get3A_129 : vector<16xi1>, vector<16xi32>
      %swap3A_147 = arith.index_cast %scan3A_23 : i32 to index
      %swap3A_148 = arith.constant 48 : index
      %swap3A_149 = tpu.vector_load %arg15[%swap3A_147, %swap3A_148] {strides = array<i32>} : memref<125x80xi32, #tpu.memory_space<vmem>>, vector<16xi32>,
      tpu.vector_store %arg15[%swap3A_147, %swap3A_148], %select_n3A_146 {strides = array<i32>} : memref<125x80xi32, #tpu.memory_space<vmem>>, vector<16xi32>,
      %mul3A_150 = arith.constant 2.000000e-01 : f32
      %mul3A_151 = vector.broadcast %mul3A_150 : f32 to vector<16xf32>
      %mul3A_152 = arith.mulf %add3A_132, %mul3A_151 : vector<16xf32>
      %select_n3A_153 = arith.select %lt3A_135, %mul3A_152, %add3A_132 : vector<16xi1>, vector<16xf32>
      %sub3A_154 = arith.subf %select_n3A_153, %get3A_10 : vector<16xf32>
      %exp3A_155 = math.exp %sub3A_154 : vector<16xf32>
      %swap3A_156 = arith.index_cast %scan3A_23 : i32 to index
      %swap3A_157 = arith.constant 48 : index
      %swap3A_158 = tpu.vector_load %arg13[%swap3A_156, %swap3A_157] {strides = array<i32>} : memref<125x80xf32, #tpu.memory_space<vmem>>, vector<16xf32>,
      tpu.vector_store %arg13[%swap3A_156, %swap3A_157], %exp3A_155 {strides = array<i32>} : memref<125x80xf32, #tpu.memory_space<vmem>>, vector<16xf32>,
      %get3A_159 = arith.index_cast %scan3A_23 : i32 to index
      %get3A_160 = arith.constant 64 : index
      %get3A_161 = tpu.vector_load %arg11[%get3A_159, %get3A_160] {strides = array<i32>} : memref<125x80xi32, #tpu.memory_space<vmem>>, vector<16xi32>,
      %get3A_162 = arith.index_cast %scan3A_23 : i32 to index
      %get3A_163 = arith.constant 64 : index
      %get3A_164 = tpu.vector_load %arg12[%get3A_162, %get3A_163] {strides = array<i32>} : memref<125x80xi32, #tpu.memory_space<vmem>>, vector<16xi32>,
      %gather3A_165 = tpu.vector_load_idx %arg9[%get3A_161] : memref<10000xf32, #tpu.memory_space<vmem>>[vector<16xi32>], vector<16xf32>,
      %gather3A_166 = tpu.vector_load_idx %arg10[%get3A_164] : memref<10000xf32, #tpu.memory_space<vmem>>[vector<16xi32>], vector<16xf32>,
      %add3A_167 = arith.addf %gather3A_165, %gather3A_166 : vector<16xf32>
      %lt3A_168 = arith.constant 0.000000e+00 : f32
      %lt3A_169 = vector.broadcast %lt3A_168 : f32 to vector<16xf32>
      %lt3A_170 = arith.cmpf olt, %add3A_167, %lt3A_169 : vector<16xf32>
      %add3A_171 = arith.constant 10000 : i32
      %add3A_172 = vector.broadcast %add3A_171 : i32 to vector<16xi32>
      %add3A_173 = arith.addi %get3A_161, %add3A_172 : vector<16xi32>
      %select_n3A_174 = arith.select %lt3A_170, %add3A_173, %get3A_161 : vector<16xi1>, vector<16xi32>
      %swap3A_175 = arith.index_cast %scan3A_23 : i32 to index
      %swap3A_176 = arith.constant 64 : index
      %swap3A_177 = tpu.vector_load %arg14[%swap3A_175, %swap3A_176] {strides = array<i32>} : memref<125x80xi32, #tpu.memory_space<vmem>>, vector<16xi32>,
      tpu.vector_store %arg14[%swap3A_175, %swap3A_176], %select_n3A_174 {strides = array<i32>} : memref<125x80xi32, #tpu.memory_space<vmem>>, vector<16xi32>,
      %add3A_178 = arith.constant 10000 : i32
      %add3A_179 = vector.broadcast %add3A_178 : i32 to vector<16xi32>
      %add3A_180 = arith.addi %get3A_164, %add3A_179 : vector<16xi32>
      %select_n3A_181 = arith.select %lt3A_170, %add3A_180, %get3A_164 : vector<16xi1>, vector<16xi32>
      %swap3A_182 = arith.index_cast %scan3A_23 : i32 to index
      %swap3A_183 = arith.constant 64 : index
      %swap3A_184 = tpu.vector_load %arg15[%swap3A_182, %swap3A_183] {strides = array<i32>} : memref<125x80xi32, #tpu.memory_space<vmem>>, vector<16xi32>,
      tpu.vector_store %arg15[%swap3A_182, %swap3A_183], %select_n3A_181 {strides = array<i32>} : memref<125x80xi32, #tpu.memory_space<vmem>>, vector<16xi32>,
      %mul3A_185 = arith.constant 2.000000e-01 : f32
      %mul3A_186 = vector.broadcast %mul3A_185 : f32 to vector<16xf32>
      %mul3A_187 = arith.mulf %add3A_167, %mul3A_186 : vector<16xf32>
      %select_n3A_188 = arith.select %lt3A_170, %mul3A_187, %add3A_167 : vector<16xi1>, vector<16xf32>
      %sub3A_189 = arith.subf %select_n3A_188, %get3A_10 : vector<16xf32>
      %exp3A_190 = math.exp %sub3A_189 : vector<16xf32>
      %swap3A_191 = arith.index_cast %scan3A_23 : i32 to index
      %swap3A_192 = arith.constant 64 : index
      %swap3A_193 = tpu.vector_load %arg13[%swap3A_191, %swap3A_192] {strides = array<i32>} : memref<125x80xf32, #tpu.memory_space<vmem>>, vector<16xf32>,
      tpu.vector_store %arg13[%swap3A_191, %swap3A_192], %exp3A_190 {strides = array<i32>} : memref<125x80xf32, #tpu.memory_space<vmem>>, vector<16xf32>,
      "tpu.region"() ({
        %run_scoped3A_195 = tpu.sem_alloc : memref<!tpu.dma_semaphore, #tpu.memory_space<semaphore_mem>>
        %dma_start3A = arith.constant 0 : i32
        %dma_start3A_196 = tpu.memref_slice %arg13[%scan3A_23, %dma_start3A] : memref<125x80xf32, #tpu.memory_space<vmem>> -> memref<1x80xf32, #tpu.memory_space<vmem>>
        %dma_start3A_197 = tpu.memref_squeeze %dma_start3A_196 : memref<1x80xf32, #tpu.memory_space<vmem>> -> memref<80xf32, #tpu.memory_space<vmem>>
        %dma_start3A_198 = arith.constant 0 : i32
        %dma_start3A_199 = tpu.memref_slice %arg12[%scan3A_23, %dma_start3A_198] : memref<125x80xi32, #tpu.memory_space<vmem>> -> memref<1x80xi32, #tpu.memory_space<vmem>>
        %dma_start3A_200 = tpu.memref_squeeze %dma_start3A_199 : memref<1x80xi32, #tpu.memory_space<vmem>> -> memref<80xi32, #tpu.memory_space<vmem>>
        %dma_start3A_201 = arith.constant 0 : i32
        %dma_start3A_202 = tpu.memref_slice %arg18[%dma_start3A_201] : memref<10240xf32, #tpu.memory_space<vmem_shared>> -> memref<10240xf32, #tpu.memory_space<vmem_shared>>
        tpu.enqueue_indirect_dma source(%dma_start3A_197 : memref<80xf32, #tpu.memory_space<vmem>>) target(%dma_start3A_202 : memref<10240xf32, #tpu.memory_space<vmem_shared>>) offsets(%dma_start3A_200 : memref<80xi32, #tpu.memory_space<vmem>>) semaphore(%run_scoped3A_195 : memref<!tpu.dma_semaphore, #tpu.memory_space<semaphore_mem>>) {add = true}
        %dma_wait3A = arith.constant 0 : i32
        %dma_wait3A_203 = tpu.memref_slice %arg13[%scan3A_23, %dma_wait3A] : memref<125x80xf32, #tpu.memory_space<vmem>> -> memref<1x80xf32, #tpu.memory_space<vmem>>
        %dma_wait3A_204 = tpu.memref_squeeze %dma_wait3A_203 : memref<1x80xf32, #tpu.memory_space<vmem>> -> memref<80xf32, #tpu.memory_space<vmem>>
        %dma_wait3A_205 = arith.constant 0 : i32
        %dma_wait3A_206 = tpu.memref_slice %arg12[%scan3A_23, %dma_wait3A_205] : memref<125x80xi32, #tpu.memory_space<vmem>> -> memref<1x80xi32, #tpu.memory_space<vmem>>
        %dma_wait3A_207 = tpu.memref_squeeze %dma_wait3A_206 : memref<1x80xi32, #tpu.memory_space<vmem>> -> memref<80xi32, #tpu.memory_space<vmem>>
        %dma_wait3A_208 = arith.constant 0 : i32
        %dma_wait3A_209 = tpu.memref_slice %arg18[%dma_wait3A_208] : memref<10240xf32, #tpu.memory_space<vmem_shared>> -> memref<10240xf32, #tpu.memory_space<vmem_shared>>
        tpu.wait_indirect_dma semaphore(%run_scoped3A_195 : memref<!tpu.dma_semaphore, #tpu.memory_space<semaphore_mem>>) src(%dma_wait3A_204 : memref<80xf32, #tpu.memory_space<vmem>>) dst(%dma_wait3A_209 : memref<10240xf32, #tpu.memory_space<vmem_shared>>)
        tpu.yield
      }) : () -> ()
      %scan3A_194 = arith.constant 0 : i32
      scf.yield %scan3A_194 : i32
    }
    %scan3A_17 = arith.constant 125 : i32
    "tpu.region"() ({
      %run_scoped3A_23 = tpu.sem_alloc : memref<!tpu.dma_semaphore, #tpu.memory_space<semaphore_mem>>
      %dma_start3A = arith.constant 0 : i32
      %dma_start3A_24 = arith.constant 0 : i32
      %dma_start3A_25 = tpu.memref_slice %arg7[%add3A, %dma_start3A, %dma_start3A_24] : memref<32x125x80xi32, #tpu.memory_space<hbm>> -> memref<1x125x80xi32, #tpu.memory_space<hbm>>
      %dma_start3A_26 = tpu.memref_squeeze %dma_start3A_25 : memref<1x125x80xi32, #tpu.memory_space<hbm>> -> memref<125x80xi32, #tpu.memory_space<hbm>>
      %dma_start3A_27 = arith.constant 0 : i32
      %dma_start3A_28 = arith.constant 0 : i32
      %dma_start3A_29 = tpu.memref_slice %arg7[%add3A, %dma_start3A_27, %dma_start3A_28] : memref<32x125x80xi32, #tpu.memory_space<hbm>> -> memref<1x125x80xi32, #tpu.memory_space<hbm>>
      %dma_start3A_30 = tpu.memref_squeeze %dma_start3A_29 : memref<1x125x80xi32, #tpu.memory_space<hbm>> -> memref<125x80xi32, #tpu.memory_space<hbm>>
      tpu.enqueue_dma source(%arg14 : memref<125x80xi32, #tpu.memory_space<vmem>>) target(%dma_start3A_30 : memref<125x80xi32, #tpu.memory_space<hbm>>) target_semaphore(%run_scoped3A_23 : memref<!tpu.dma_semaphore, #tpu.memory_space<semaphore_mem>>)
      %dma_wait3A = arith.constant 0 : i32
      %dma_wait3A_31 = arith.constant 0 : i32
      %dma_wait3A_32 = tpu.memref_slice %arg7[%add3A, %dma_wait3A, %dma_wait3A_31] : memref<32x125x80xi32, #tpu.memory_space<hbm>> -> memref<1x125x80xi32, #tpu.memory_space<hbm>>
      %dma_wait3A_33 = tpu.memref_squeeze %dma_wait3A_32 : memref<1x125x80xi32, #tpu.memory_space<hbm>> -> memref<125x80xi32, #tpu.memory_space<hbm>>
      %dma_wait3A_34 = arith.constant 0 : i32
      %dma_wait3A_35 = arith.constant 0 : i32
      %dma_wait3A_36 = tpu.memref_slice %arg7[%add3A, %dma_wait3A_34, %dma_wait3A_35] : memref<32x125x80xi32, #tpu.memory_space<hbm>> -> memref<1x125x80xi32, #tpu.memory_space<hbm>>
      %dma_wait3A_37 = tpu.memref_squeeze %dma_wait3A_36 : memref<1x125x80xi32, #tpu.memory_space<hbm>> -> memref<125x80xi32, #tpu.memory_space<hbm>>
      tpu.wait_dma2 semaphore(%run_scoped3A_23 : memref<!tpu.dma_semaphore, #tpu.memory_space<semaphore_mem>>) src(%arg14 : memref<125x80xi32, #tpu.memory_space<vmem>>) dst(%dma_wait3A_37 : memref<125x80xi32, #tpu.memory_space<hbm>>)
      tpu.yield
    }) : () -> ()
    "tpu.region"() ({
      %run_scoped3A_23 = tpu.sem_alloc : memref<!tpu.dma_semaphore, #tpu.memory_space<semaphore_mem>>
      %dma_start3A = arith.constant 0 : i32
      %dma_start3A_24 = arith.constant 0 : i32
      %dma_start3A_25 = tpu.memref_slice %arg8[%add3A, %dma_start3A, %dma_start3A_24] : memref<32x125x80xi32, #tpu.memory_space<hbm>> -> memref<1x125x80xi32, #tpu.memory_space<hbm>>
      %dma_start3A_26 = tpu.memref_squeeze %dma_start3A_25 : memref<1x125x80xi32, #tpu.memory_space<hbm>> -> memref<125x80xi32, #tpu.memory_space<hbm>>
      %dma_start3A_27 = arith.constant 0 : i32
      %dma_start3A_28 = arith.constant 0 : i32
      %dma_start3A_29 = tpu.memref_slice %arg8[%add3A, %dma_start3A_27, %dma_start3A_28] : memref<32x125x80xi32, #tpu.memory_space<hbm>> -> memref<1x125x80xi32, #tpu.memory_space<hbm>>
      %dma_start3A_30 = tpu.memref_squeeze %dma_start3A_29 : memref<1x125x80xi32, #tpu.memory_space<hbm>> -> memref<125x80xi32, #tpu.memory_space<hbm>>
      tpu.enqueue_dma source(%arg15 : memref<125x80xi32, #tpu.memory_space<vmem>>) target(%dma_start3A_30 : memref<125x80xi32, #tpu.memory_space<hbm>>) target_semaphore(%run_scoped3A_23 : memref<!tpu.dma_semaphore, #tpu.memory_space<semaphore_mem>>)
      %dma_wait3A = arith.constant 0 : i32
      %dma_wait3A_31 = arith.constant 0 : i32
      %dma_wait3A_32 = tpu.memref_slice %arg8[%add3A, %dma_wait3A, %dma_wait3A_31] : memref<32x125x80xi32, #tpu.memory_space<hbm>> -> memref<1x125x80xi32, #tpu.memory_space<hbm>>
      %dma_wait3A_33 = tpu.memref_squeeze %dma_wait3A_32 : memref<1x125x80xi32, #tpu.memory_space<hbm>> -> memref<125x80xi32, #tpu.memory_space<hbm>>
      %dma_wait3A_34 = arith.constant 0 : i32
      %dma_wait3A_35 = arith.constant 0 : i32
      %dma_wait3A_36 = tpu.memref_slice %arg8[%add3A, %dma_wait3A_34, %dma_wait3A_35] : memref<32x125x80xi32, #tpu.memory_space<hbm>> -> memref<1x125x80xi32, #tpu.memory_space<hbm>>
      %dma_wait3A_37 = tpu.memref_squeeze %dma_wait3A_36 : memref<1x125x80xi32, #tpu.memory_space<hbm>> -> memref<125x80xi32, #tpu.memory_space<hbm>>
      tpu.wait_dma2 semaphore(%run_scoped3A_23 : memref<!tpu.dma_semaphore, #tpu.memory_space<semaphore_mem>>) src(%arg15 : memref<125x80xi32, #tpu.memory_space<vmem>>) dst(%dma_wait3A_37 : memref<125x80xi32, #tpu.memory_space<hbm>>)
      tpu.yield
    }) : () -> ()
    %barrier3A_18 = arith.constant 0 : index
    tpu.barrier barrier_id(%barrier3A_18)
    %mul3A_19 = arith.constant 640 : i32
    %mul3A_20 = arith.muli %arg1, %mul3A_19 : i32
    %mul3A_21 = arith.constant 640 : i32
    %mul3A_22 = arith.muli %arg1, %mul3A_21 : i32
    "tpu.region"() ({
      %run_scoped3A_23 = tpu.sem_alloc : memref<!tpu.dma_semaphore, #tpu.memory_space<semaphore_mem>>
      %dma_start3A = tpu.memref_slice %arg6[%arg0, %mul3A_22] : memref<2x10240xf32, #tpu.memory_space<hbm>> -> memref<1x640xf32, #tpu.memory_space<hbm>>
      %dma_start3A_24 = tpu.memref_squeeze %dma_start3A : memref<1x640xf32, #tpu.memory_space<hbm>> -> memref<640xf32, #tpu.memory_space<hbm>>
      %dma_start3A_25 = tpu.memref_slice %arg18[%mul3A_20] : memref<10240xf32, #tpu.memory_space<vmem_shared>> -> memref<640xf32, #tpu.memory_space<vmem_shared>>
      tpu.enqueue_dma source(%dma_start3A_25 : memref<640xf32, #tpu.memory_space<vmem_shared>>) target(%dma_start3A_24 : memref<640xf32, #tpu.memory_space<hbm>>) target_semaphore(%run_scoped3A_23 : memref<!tpu.dma_semaphore, #tpu.memory_space<semaphore_mem>>)
      %dma_wait3A = tpu.memref_slice %arg6[%arg0, %mul3A_22] : memref<2x10240xf32, #tpu.memory_space<hbm>> -> memref<1x640xf32, #tpu.memory_space<hbm>>
      %dma_wait3A_26 = tpu.memref_squeeze %dma_wait3A : memref<1x640xf32, #tpu.memory_space<hbm>> -> memref<640xf32, #tpu.memory_space<hbm>>
      %dma_wait3A_27 = tpu.memref_slice %arg18[%mul3A_20] : memref<10240xf32, #tpu.memory_space<vmem_shared>> -> memref<640xf32, #tpu.memory_space<vmem_shared>>
      tpu.wait_dma2 semaphore(%run_scoped3A_23 : memref<!tpu.dma_semaphore, #tpu.memory_space<semaphore_mem>>) src(%dma_wait3A_27 : memref<640xf32, #tpu.memory_space<vmem_shared>>) dst(%dma_wait3A_26 : memref<640xf32, #tpu.memory_space<hbm>>)
      tpu.yield
    }) : () -> ()
    return
  }
}

module attributes {stable_mosaic.version = 14 : i64} {
  func.func @_dense_in_body(%arg0: i32, %arg1: memref<1000x128xf32, #tpu.memory_space<vmem>>, %arg2: memref<128x128xf32, #tpu.memory_space<vmem>>, %arg3: memref<128x128xf32, #tpu.memory_space<vmem>>, %arg4: memref<128x1xf32, #tpu.memory_space<vmem>>, %arg5: memref<128x1xf32, #tpu.memory_space<vmem>>, %arg6: memref<2x1000x64xf32, #tpu.memory_space<vmem>>, %arg7: memref<1000x1xf32, #tpu.memory_space<vmem>>, %arg8: memref<1000x1xf32, #tpu.memory_space<vmem>>, %arg9: memref<8x128xf32, #tpu.memory_space<vmem>>, %arg10: memref<8x128xf32, #tpu.memory_space<vmem>>, %arg11: memref<2xf32, #tpu.memory_space<smem>>) attributes {dimension_semantics = [#tpu.dimension_semantics<arbitrary>], iteration_bounds = array<i64: 10>, scalar_prefetch = 0 : i64, scratch_operands = 1 : i64, tpu.core_type = #tpu.core_type<tc>, window_params = [{transform_indices = @transform_0, window_bounds = array<i64: 1000, 128>}, {pipeline_mode = #tpu.pipeline_mode<synchronous>, transform_indices = @transform_1, window_bounds = array<i64: 128, 128>}, {pipeline_mode = #tpu.pipeline_mode<synchronous>, transform_indices = @transform_2, window_bounds = array<i64: 128, 128>}, {pipeline_mode = #tpu.pipeline_mode<synchronous>, transform_indices = @transform_3, window_bounds = array<i64: 128, 1>}, {pipeline_mode = #tpu.pipeline_mode<synchronous>, transform_indices = @transform_4, window_bounds = array<i64: 128, 1>}, {transform_indices = @transform_5, window_bounds = array<i64: 2, 1000, 64>}, {transform_indices = @transform_6, window_bounds = array<i64: 1000, 1>}, {transform_indices = @transform_7, window_bounds = array<i64: 1000, 1>}, {pipeline_mode = #tpu.pipeline_mode<synchronous>, transform_indices = @transform_8, window_bounds = array<i64: 8, 128>}, {pipeline_mode = #tpu.pipeline_mode<synchronous>, transform_indices = @transform_9, window_bounds = array<i64: 8, 128>}]} {
    %get3A = arith.constant 0 : index
    %get3A_0 = arith.constant 0 : index
    %get3A_1 = vector.load %arg1[%get3A, %get3A_0] : memref<1000x128xf32, #tpu.memory_space<vmem>>, vector<1000x128xf32>
    %get3A_2 = arith.constant 0 : index
    %get3A_3 = arith.constant 0 : index
    %get3A_4 = vector.load %arg2[%get3A_2, %get3A_3] : memref<128x128xf32, #tpu.memory_space<vmem>>, vector<128x128xf32>
    %dot_general3A = arith.constant dense<0.000000e+00> : vector<1000x128xf32>
    %dot_general3A_5 = tpu.matmul %get3A_1, %get3A_4, %dot_general3A {dimension_numbers = #tpu.dot_dimension_numbers<[1], [0], [0], [1], [0, 0, 1, 1], [], []>, transpose_lhs_hint = false} : vector<1000x128xf32>, vector<128x128xf32>, vector<1000x128xf32> -> vector<1000x128xf32>
    %slice3A = vector.extract_strided_slice %dot_general3A_5 {offsets = [0, 0], sizes = [1000, 64], strides = [1, 1]} : vector<1000x128xf32> to vector<1000x64xf32>
    %swap3A = arith.constant 0 : index
    %swap3A_6 = arith.constant 0 : index
    %swap3A_7 = arith.constant 0 : index
    %swap3A_8 = vector.load %arg6[%swap3A, %swap3A_6, %swap3A_7] : memref<2x1000x64xf32, #tpu.memory_space<vmem>>, vector<1x1000x64xf32>
    %swap3A_9 = vector.shape_cast %swap3A_8 : vector<1x1000x64xf32> to vector<1000x64xf32>
    %swap3A_10 = vector.shape_cast %slice3A : vector<1000x64xf32> to vector<1x1000x64xf32>
    tpu.vector_store %arg6[%swap3A, %swap3A_6, %swap3A_7], %swap3A_10 {strides = array<i32>} : memref<2x1000x64xf32, #tpu.memory_space<vmem>>, vector<1x1000x64xf32>,
    %slice3A_11 = vector.extract_strided_slice %dot_general3A_5 {offsets = [0, 64], sizes = [1000, 64], strides = [1, 1]} : vector<1000x128xf32> to vector<1000x64xf32>
    %swap3A_12 = arith.constant 1 : index
    %swap3A_13 = arith.constant 0 : index
    %swap3A_14 = arith.constant 0 : index
    %swap3A_15 = vector.load %arg6[%swap3A_12, %swap3A_13, %swap3A_14] : memref<2x1000x64xf32, #tpu.memory_space<vmem>>, vector<1x1000x64xf32>
    %swap3A_16 = vector.shape_cast %swap3A_15 : vector<1x1000x64xf32> to vector<1000x64xf32>
    %swap3A_17 = vector.shape_cast %slice3A_11 : vector<1000x64xf32> to vector<1x1000x64xf32>
    tpu.vector_store %arg6[%swap3A_12, %swap3A_13, %swap3A_14], %swap3A_17 {strides = array<i32>} : memref<2x1000x64xf32, #tpu.memory_space<vmem>>, vector<1x1000x64xf32>,
    %get3A_18 = arith.constant 0 : index
    %get3A_19 = arith.constant 0 : index
    %get3A_20 = vector.load %arg4[%get3A_18, %get3A_19] : memref<128x1xf32, #tpu.memory_space<vmem>>, vector<128x1xf32>
    %dot_general3A_21 = arith.constant dense<0.000000e+00> : vector<1000x1xf32>
    %dot_general3A_22 = tpu.matmul %dot_general3A_5, %get3A_20, %dot_general3A_21 {dimension_numbers = #tpu.dot_dimension_numbers<[1], [0], [0], [1], [0, 0, 1, 1], [], []>, transpose_lhs_hint = false} : vector<1000x128xf32>, vector<128x1xf32>, vector<1000x1xf32> -> vector<1000x1xf32>
    %swap3A_23 = arith.constant 0 : index
    %swap3A_24 = arith.constant 0 : index
    %swap3A_25 = vector.load %arg7[%swap3A_23, %swap3A_24] : memref<1000x1xf32, #tpu.memory_space<vmem>>, vector<1000x1xf32>
    tpu.vector_store %arg7[%swap3A_23, %swap3A_24], %dot_general3A_22 {strides = array<i32>} : memref<1000x1xf32, #tpu.memory_space<vmem>>, vector<1000x1xf32>,
    %get3A_26 = arith.constant 0 : index
    %get3A_27 = arith.constant 0 : index
    %get3A_28 = vector.load %arg3[%get3A_26, %get3A_27] : memref<128x128xf32, #tpu.memory_space<vmem>>, vector<128x128xf32>
    %get3A_29 = arith.constant 0 : index
    %get3A_30 = arith.constant 0 : index
    %get3A_31 = vector.load %arg5[%get3A_29, %get3A_30] : memref<128x1xf32, #tpu.memory_space<vmem>>, vector<128x1xf32>
    %dot_general3A_32 = arith.constant dense<0.000000e+00> : vector<128x1xf32>
    %dot_general3A_33 = tpu.matmul %get3A_28, %get3A_31, %dot_general3A_32 {dimension_numbers = #tpu.dot_dimension_numbers<[1], [0], [0], [1], [0, 0, 1, 1], [], []>, transpose_lhs_hint = false} : vector<128x128xf32>, vector<128x1xf32>, vector<128x1xf32> -> vector<128x1xf32>
    %get3A_34 = arith.constant 0 : index
    %get3A_35 = arith.constant 0 : index
    %get3A_36 = vector.load %arg1[%get3A_34, %get3A_35] : memref<1000x128xf32, #tpu.memory_space<vmem>>, vector<1000x128xf32>
    %dot_general3A_37 = arith.constant dense<0.000000e+00> : vector<1000x1xf32>
    %dot_general3A_38 = tpu.matmul %get3A_36, %dot_general3A_33, %dot_general3A_37 {dimension_numbers = #tpu.dot_dimension_numbers<[1], [0], [0], [1], [0, 0, 1, 1], [], []>, transpose_lhs_hint = false} : vector<1000x128xf32>, vector<128x1xf32>, vector<1000x1xf32> -> vector<1000x1xf32>
    %swap3A_39 = arith.constant 0 : index
    %swap3A_40 = arith.constant 0 : index
    %swap3A_41 = vector.load %arg8[%swap3A_39, %swap3A_40] : memref<1000x1xf32, #tpu.memory_space<vmem>>, vector<1000x1xf32>
    tpu.vector_store %arg8[%swap3A_39, %swap3A_40], %dot_general3A_38 {strides = array<i32>} : memref<1000x1xf32, #tpu.memory_space<vmem>>, vector<1000x1xf32>,
    %reduce_max3A = vector.shape_cast %dot_general3A_22 : vector<1000x1xf32> to vector<1x1000x1xf32>
    %reduce_max3A_42 = arith.constant dense<0xFF800000> : vector<1xf32>
    %reduce_max3A_43 = vector.multi_reduction <maximumf>, %reduce_max3A, %reduce_max3A_42 [1, 2] : vector<1x1000x1xf32> to vector<1xf32>
    %reduce_max3A_44 = vector.shape_cast %reduce_max3A_43 : vector<1xf32> to vector<1x1x1xf32>
    %reduce_max3A_45 = vector.extract %reduce_max3A_44[0, 0, 0] : f32 from vector<1x1x1xf32>
    %reduce_max3A_46 = vector.shape_cast %dot_general3A_38 : vector<1000x1xf32> to vector<1x1000x1xf32>
    %reduce_max3A_47 = arith.constant dense<0xFF800000> : vector<1xf32>
    %reduce_max3A_48 = vector.multi_reduction <maximumf>, %reduce_max3A_46, %reduce_max3A_47 [1, 2] : vector<1x1000x1xf32> to vector<1xf32>
    %reduce_max3A_49 = vector.shape_cast %reduce_max3A_48 : vector<1xf32> to vector<1x1x1xf32>
    %reduce_max3A_50 = vector.extract %reduce_max3A_49[0, 0, 0] : f32 from vector<1x1x1xf32>
    %eq3A = arith.constant 0 : i32
    %eq3A_51 = arith.cmpi eq, %arg0, %eq3A : i32
    %convert_element_type3A = arith.extui %eq3A_51 : i1 to i32
    %cond3A = arith.constant 0 : i32
    %cond3A_52 = arith.cmpi ne, %convert_element_type3A, %cond3A : i32
    scf.if %cond3A_52 {
      %swap3A_62 = arith.constant 0 : index
      %swap3A_63 = memref.load %arg11[%swap3A_62] : memref<2xf32, #tpu.memory_space<smem>>
      memref.store %reduce_max3A_45, %arg11[%swap3A_62] : memref<2xf32, #tpu.memory_space<smem>>
      %swap3A_64 = arith.constant 1 : index
      %swap3A_65 = memref.load %arg11[%swap3A_64] : memref<2xf32, #tpu.memory_space<smem>>
      memref.store %reduce_max3A_50, %arg11[%swap3A_64] : memref<2xf32, #tpu.memory_space<smem>>
    } else {
    }
    %gt3A = arith.constant 0 : i32
    %gt3A_53 = arith.cmpi sgt, %arg0, %gt3A : i32
    %convert_element_type3A_54 = arith.extui %gt3A_53 : i1 to i32
    %cond3A_55 = arith.constant 0 : i32
    %cond3A_56 = arith.cmpi ne, %convert_element_type3A_54, %cond3A_55 : i32
    scf.if %cond3A_56 {
      %get3A_62 = arith.constant 0 : index
      %get3A_63 = memref.load %arg11[%get3A_62] : memref<2xf32, #tpu.memory_space<smem>>
      %max3A = arith.maximumf %get3A_63, %reduce_max3A_45 : f32
      %swap3A_64 = arith.constant 0 : index
      %swap3A_65 = memref.load %arg11[%swap3A_64] : memref<2xf32, #tpu.memory_space<smem>>
      memref.store %max3A, %arg11[%swap3A_64] : memref<2xf32, #tpu.memory_space<smem>>
      %get3A_66 = arith.constant 1 : index
      %get3A_67 = memref.load %arg11[%get3A_66] : memref<2xf32, #tpu.memory_space<smem>>
      %max3A_68 = arith.maximumf %get3A_67, %reduce_max3A_50 : f32
      %swap3A_69 = arith.constant 1 : index
      %swap3A_70 = memref.load %arg11[%swap3A_69] : memref<2xf32, #tpu.memory_space<smem>>
      memref.store %max3A_68, %arg11[%swap3A_69] : memref<2xf32, #tpu.memory_space<smem>>
    } else {
    }
    %eq3A_57 = arith.constant 9 : i32
    %eq3A_58 = arith.cmpi eq, %arg0, %eq3A_57 : i32
    %convert_element_type3A_59 = arith.extui %eq3A_58 : i1 to i32
    %cond3A_60 = arith.constant 0 : i32
    %cond3A_61 = arith.cmpi ne, %convert_element_type3A_59, %cond3A_60 : i32
    scf.if %cond3A_61 {
      %get3A_62 = arith.constant 0 : index
      %get3A_63 = memref.load %arg11[%get3A_62] : memref<2xf32, #tpu.memory_space<smem>>
      %get3A_64 = arith.constant 1 : index
      %get3A_65 = memref.load %arg11[%get3A_64] : memref<2xf32, #tpu.memory_space<smem>>
      %add3A = arith.addf %get3A_63, %get3A_65 : f32
      %ge3A = arith.constant 0.000000e+00 : f32
      %ge3A_66 = arith.cmpf oge, %add3A, %ge3A : f32
      %mul3A = arith.constant 2.000000e-01 : f32
      %mul3A_67 = arith.mulf %add3A, %mul3A : f32
      %select_n3A = arith.select %ge3A_66, %add3A, %mul3A_67 : f32
      %broadcast_in_dim3A = vector.broadcast %select_n3A : f32 to vector<8x128xf32>
      %swap3A_68 = arith.constant 0 : index
      %swap3A_69 = arith.constant 0 : index
      %swap3A_70 = vector.load %arg9[%swap3A_68, %swap3A_69] : memref<8x128xf32, #tpu.memory_space<vmem>>, vector<8x128xf32>
      tpu.vector_store %arg9[%swap3A_68, %swap3A_69], %broadcast_in_dim3A {strides = array<i32>} : memref<8x128xf32, #tpu.memory_space<vmem>>, vector<8x128xf32>,
      %get3A_71 = arith.constant 0 : index
      %get3A_72 = memref.load %arg11[%get3A_71] : memref<2xf32, #tpu.memory_space<smem>>
      %broadcast_in_dim3A_73 = vector.broadcast %get3A_72 : f32 to vector<8x128xf32>
      %swap3A_74 = arith.constant 0 : index
      %swap3A_75 = arith.constant 0 : index
      %swap3A_76 = vector.load %arg10[%swap3A_74, %swap3A_75] : memref<8x128xf32, #tpu.memory_space<vmem>>, vector<8x128xf32>
      tpu.vector_store %arg10[%swap3A_74, %swap3A_75], %broadcast_in_dim3A_73 {strides = array<i32>} : memref<8x128xf32, #tpu.memory_space<vmem>>, vector<8x128xf32>,
    } else {
    }
    return
  }
  func.func @transform_0(%arg0: i32) -> (i32, i32) {
    %c0_i32 = arith.constant 0 : i32
    %c0_i32_0 = arith.constant 0 : i32
    return %arg0, %c0_i32 : i32, i32
  }
  func.func @transform_1(%arg0: i32) -> (i32, i32) {
    %c0_i32 = arith.constant 0 : i32
    %c0_i32_0 = arith.constant 0 : i32
    %c0_i32_1 = arith.constant 0 : i32
    return %c0_i32, %c0_i32_0 : i32, i32
  }
  func.func @transform_2(%arg0: i32) -> (i32, i32) {
    %c0_i32 = arith.constant 0 : i32
    %c0_i32_0 = arith.constant 0 : i32
    %c0_i32_1 = arith.constant 0 : i32
    return %c0_i32, %c0_i32_0 : i32, i32
  }
  func.func @transform_3(%arg0: i32) -> (i32, i32) {
    %c0_i32 = arith.constant 0 : i32
    %c0_i32_0 = arith.constant 0 : i32
    %c0_i32_1 = arith.constant 0 : i32
    return %c0_i32, %c0_i32_0 : i32, i32
  }
  func.func @transform_4(%arg0: i32) -> (i32, i32) {
    %c0_i32 = arith.constant 0 : i32
    %c0_i32_0 = arith.constant 0 : i32
    %c0_i32_1 = arith.constant 0 : i32
    return %c0_i32, %c0_i32_0 : i32, i32
  }
  func.func @transform_5(%arg0: i32) -> (i32, i32, i32) {
    %c0_i32 = arith.constant 0 : i32
    %c0_i32_0 = arith.constant 0 : i32
    %c0_i32_1 = arith.constant 0 : i32
    return %c0_i32, %arg0, %c0_i32_0 : i32, i32, i32
  }
  func.func @transform_6(%arg0: i32) -> (i32, i32) {
    %c0_i32 = arith.constant 0 : i32
    %c0_i32_0 = arith.constant 0 : i32
    return %arg0, %c0_i32 : i32, i32
  }
  func.func @transform_7(%arg0: i32) -> (i32, i32) {
    %c0_i32 = arith.constant 0 : i32
    %c0_i32_0 = arith.constant 0 : i32
    return %arg0, %c0_i32 : i32, i32
  }
  func.func @transform_8(%arg0: i32) -> (i32, i32) {
    %c0_i32 = arith.constant 0 : i32
    %c0_i32_0 = arith.constant 0 : i32
    %c0_i32_1 = arith.constant 0 : i32
    return %c0_i32, %c0_i32_0 : i32, i32
  }
  func.func @transform_9(%arg0: i32) -> (i32, i32) {
    %c0_i32 = arith.constant 0 : i32
    %c0_i32_0 = arith.constant 0 : i32
    %c0_i32_1 = arith.constant 0 : i32
    return %c0_i32, %c0_i32_0 : i32, i32
  }
}

module attributes {stable_mosaic.version = 14 : i64} {
  func.func @_scale_body(%arg0: i32, %arg1: memref<2x1000x64xf32, #tpu.memory_space<vmem>>, %arg2: memref<1000x1xf32, #tpu.memory_space<vmem>>, %arg3: memref<8x128xf32, #tpu.memory_space<vmem>>, %arg4: memref<2x2x1000x64xf32, #tpu.memory_space<vmem>>) attributes {dimension_semantics = [#tpu.dimension_semantics<arbitrary>], iteration_bounds = array<i64: 10>, scalar_prefetch = 0 : i64, scratch_operands = 0 : i64, tpu.core_type = #tpu.core_type<tc>, window_params = [{transform_indices = @transform_0, window_bounds = array<i64: 2, 1000, 64>}, {transform_indices = @transform_1, window_bounds = array<i64: 1000, 1>}, {pipeline_mode = #tpu.pipeline_mode<synchronous>, transform_indices = @transform_2, window_bounds = array<i64: 8, 128>}, {transform_indices = @transform_3, window_bounds = array<i64: 2, 2, 1000, 64>}]} {
    %get3A = arith.constant 0 : index
    %get3A_0 = arith.constant 0 : index
    %get3A_1 = vector.load %arg3[%get3A, %get3A_0] : memref<8x128xf32, #tpu.memory_space<vmem>>, vector<1x1xf32>
    %get3A_2 = vector.extract %get3A_1[0, 0] : f32 from vector<1x1xf32>
    %get3A_3 = arith.constant 0 : index
    %get3A_4 = arith.constant 0 : index
    %get3A_5 = vector.load %arg2[%get3A_3, %get3A_4] : memref<1000x1xf32, #tpu.memory_space<vmem>>, vector<1000x1xf32>
    %sub3A = vector.broadcast %get3A_2 : f32 to vector<1000x1xf32>
    %sub3A_6 = arith.subf %get3A_5, %sub3A : vector<1000x1xf32>
    %exp3A = math.exp %sub3A_6 : vector<1000x1xf32>
    %sub3A_7 = vector.broadcast %get3A_2 : f32 to vector<1000x1xf32>
    %sub3A_8 = arith.subf %get3A_5, %sub3A_7 : vector<1000x1xf32>
    %mul3A = arith.constant 2.000000e-01 : f32
    %mul3A_9 = vector.broadcast %mul3A : f32 to vector<1000x1xf32>
    %mul3A_10 = arith.mulf %mul3A_9, %sub3A_8 : vector<1000x1xf32>
    %exp3A_11 = math.exp %mul3A_10 : vector<1000x1xf32>
    %get3A_12 = arith.constant 0 : index
    %get3A_13 = arith.constant 0 : index
    %get3A_14 = arith.constant 0 : index
    %get3A_15 = vector.load %arg1[%get3A_12, %get3A_13, %get3A_14] : memref<2x1000x64xf32, #tpu.memory_space<vmem>>, vector<1x1000x64xf32>
    %get3A_16 = vector.shape_cast %get3A_15 : vector<1x1000x64xf32> to vector<1000x64xf32>
    %mul3A_17 = vector.broadcast %exp3A : vector<1000x1xf32> to vector<1000x64xf32>
    %mul3A_18 = arith.mulf %get3A_16, %mul3A_17 : vector<1000x64xf32>
    %swap3A = arith.constant 0 : index
    %swap3A_19 = arith.constant 0 : index
    %swap3A_20 = arith.constant 0 : index
    %swap3A_21 = arith.constant 0 : index
    %swap3A_22 = vector.load %arg4[%swap3A, %swap3A_19, %swap3A_20, %swap3A_21] : memref<2x2x1000x64xf32, #tpu.memory_space<vmem>>, vector<1x1x1000x64xf32>
    %swap3A_23 = vector.shape_cast %swap3A_22 : vector<1x1x1000x64xf32> to vector<1000x64xf32>
    %swap3A_24 = vector.shape_cast %mul3A_18 : vector<1000x64xf32> to vector<1x1x1000x64xf32>
    tpu.vector_store %arg4[%swap3A, %swap3A_19, %swap3A_20, %swap3A_21], %swap3A_24 {strides = array<i32>} : memref<2x2x1000x64xf32, #tpu.memory_space<vmem>>, vector<1x1x1000x64xf32>,
    %get3A_25 = arith.constant 0 : index
    %get3A_26 = arith.constant 0 : index
    %get3A_27 = arith.constant 0 : index
    %get3A_28 = vector.load %arg1[%get3A_25, %get3A_26, %get3A_27] : memref<2x1000x64xf32, #tpu.memory_space<vmem>>, vector<1x1000x64xf32>
    %get3A_29 = vector.shape_cast %get3A_28 : vector<1x1000x64xf32> to vector<1000x64xf32>
    %mul3A_30 = vector.broadcast %exp3A_11 : vector<1000x1xf32> to vector<1000x64xf32>
    %mul3A_31 = arith.mulf %get3A_29, %mul3A_30 : vector<1000x64xf32>
    %swap3A_32 = arith.constant 0 : index
    %swap3A_33 = arith.constant 1 : index
    %swap3A_34 = arith.constant 0 : index
    %swap3A_35 = arith.constant 0 : index
    %swap3A_36 = vector.load %arg4[%swap3A_32, %swap3A_33, %swap3A_34, %swap3A_35] : memref<2x2x1000x64xf32, #tpu.memory_space<vmem>>, vector<1x1x1000x64xf32>
    %swap3A_37 = vector.shape_cast %swap3A_36 : vector<1x1x1000x64xf32> to vector<1000x64xf32>
    %swap3A_38 = vector.shape_cast %mul3A_31 : vector<1000x64xf32> to vector<1x1x1000x64xf32>
    tpu.vector_store %arg4[%swap3A_32, %swap3A_33, %swap3A_34, %swap3A_35], %swap3A_38 {strides = array<i32>} : memref<2x2x1000x64xf32, #tpu.memory_space<vmem>>, vector<1x1x1000x64xf32>,
    %get3A_39 = arith.constant 1 : index
    %get3A_40 = arith.constant 0 : index
    %get3A_41 = arith.constant 0 : index
    %get3A_42 = vector.load %arg1[%get3A_39, %get3A_40, %get3A_41] : memref<2x1000x64xf32, #tpu.memory_space<vmem>>, vector<1x1000x64xf32>
    %get3A_43 = vector.shape_cast %get3A_42 : vector<1x1000x64xf32> to vector<1000x64xf32>
    %mul3A_44 = vector.broadcast %exp3A : vector<1000x1xf32> to vector<1000x64xf32>
    %mul3A_45 = arith.mulf %get3A_43, %mul3A_44 : vector<1000x64xf32>
    %swap3A_46 = arith.constant 1 : index
    %swap3A_47 = arith.constant 0 : index
    %swap3A_48 = arith.constant 0 : index
    %swap3A_49 = arith.constant 0 : index
    %swap3A_50 = vector.load %arg4[%swap3A_46, %swap3A_47, %swap3A_48, %swap3A_49] : memref<2x2x1000x64xf32, #tpu.memory_space<vmem>>, vector<1x1x1000x64xf32>
    %swap3A_51 = vector.shape_cast %swap3A_50 : vector<1x1x1000x64xf32> to vector<1000x64xf32>
    %swap3A_52 = vector.shape_cast %mul3A_45 : vector<1000x64xf32> to vector<1x1x1000x64xf32>
    tpu.vector_store %arg4[%swap3A_46, %swap3A_47, %swap3A_48, %swap3A_49], %swap3A_52 {strides = array<i32>} : memref<2x2x1000x64xf32, #tpu.memory_space<vmem>>, vector<1x1x1000x64xf32>,
    %get3A_53 = arith.constant 1 : index
    %get3A_54 = arith.constant 0 : index
    %get3A_55 = arith.constant 0 : index
    %get3A_56 = vector.load %arg1[%get3A_53, %get3A_54, %get3A_55] : memref<2x1000x64xf32, #tpu.memory_space<vmem>>, vector<1x1000x64xf32>
    %get3A_57 = vector.shape_cast %get3A_56 : vector<1x1000x64xf32> to vector<1000x64xf32>
    %mul3A_58 = vector.broadcast %exp3A_11 : vector<1000x1xf32> to vector<1000x64xf32>
    %mul3A_59 = arith.mulf %get3A_57, %mul3A_58 : vector<1000x64xf32>
    %swap3A_60 = arith.constant 1 : index
    %swap3A_61 = arith.constant 1 : index
    %swap3A_62 = arith.constant 0 : index
    %swap3A_63 = arith.constant 0 : index
    %swap3A_64 = vector.load %arg4[%swap3A_60, %swap3A_61, %swap3A_62, %swap3A_63] : memref<2x2x1000x64xf32, #tpu.memory_space<vmem>>, vector<1x1x1000x64xf32>
    %swap3A_65 = vector.shape_cast %swap3A_64 : vector<1x1x1000x64xf32> to vector<1000x64xf32>
    %swap3A_66 = vector.shape_cast %mul3A_59 : vector<1000x64xf32> to vector<1x1x1000x64xf32>
    tpu.vector_store %arg4[%swap3A_60, %swap3A_61, %swap3A_62, %swap3A_63], %swap3A_66 {strides = array<i32>} : memref<2x2x1000x64xf32, #tpu.memory_space<vmem>>, vector<1x1x1000x64xf32>,
    return
  }
  func.func @transform_0(%arg0: i32) -> (i32, i32, i32) {
    %c0_i32 = arith.constant 0 : i32
    %c0_i32_0 = arith.constant 0 : i32
    %c0_i32_1 = arith.constant 0 : i32
    return %c0_i32, %arg0, %c0_i32_0 : i32, i32, i32
  }
  func.func @transform_1(%arg0: i32) -> (i32, i32) {
    %c0_i32 = arith.constant 0 : i32
    %c0_i32_0 = arith.constant 0 : i32
    return %arg0, %c0_i32 : i32, i32
  }
  func.func @transform_2(%arg0: i32) -> (i32, i32) {
    %c0_i32 = arith.constant 0 : i32
    %c0_i32_0 = arith.constant 0 : i32
    %c0_i32_1 = arith.constant 0 : i32
    return %c0_i32, %c0_i32_0 : i32, i32
  }
  func.func @transform_3(%arg0: i32) -> (i32, i32, i32, i32) {
    %c0_i32 = arith.constant 0 : i32
    %c0_i32_0 = arith.constant 0 : i32
    %c0_i32_1 = arith.constant 0 : i32
    %c0_i32_2 = arith.constant 0 : i32
    return %c0_i32, %c0_i32_0, %arg0, %c0_i32_1 : i32, i32, i32, i32
  }
}

module attributes {stable_mosaic.version = 14 : i64} {
  func.func @_dense_out_body(%arg0: i32, %arg1: memref<1x1000x64xf32, #tpu.memory_space<vmem>>, %arg2: memref<1x1000x64xf32, #tpu.memory_space<vmem>>, %arg3: memref<1x1000x64xf32, #tpu.memory_space<vmem>>, %arg4: memref<1x1000x64xf32, #tpu.memory_space<vmem>>, %arg5: memref<1000x1xf32, #tpu.memory_space<vmem>>, %arg6: memref<8x128xf32, #tpu.memory_space<vmem>>, %arg7: memref<8x128xf32, #tpu.memory_space<vmem>>, %arg8: memref<1x1000x1xf32, #tpu.memory_space<vmem>>, %arg9: memref<1x1000x1xf32, #tpu.memory_space<vmem>>, %arg10: memref<1x128xf32, #tpu.memory_space<vmem>>, %arg11: memref<128x128xf32, #tpu.memory_space<vmem>>, %arg12: memref<1x128xf32, #tpu.memory_space<vmem>>, %arg13: memref<1000x128xf32, #tpu.memory_space<vmem>>) attributes {dimension_semantics = [#tpu.dimension_semantics<arbitrary>], iteration_bounds = array<i64: 10>, scalar_prefetch = 0 : i64, scratch_operands = 0 : i64, tpu.core_type = #tpu.core_type<tc>, window_params = [{transform_indices = @transform_0, window_bounds = array<i64: 1, 1000, 64>}, {transform_indices = @transform_1, window_bounds = array<i64: 1, 1000, 64>}, {transform_indices = @transform_2, window_bounds = array<i64: 1, 1000, 64>}, {transform_indices = @transform_3, window_bounds = array<i64: 1, 1000, 64>}, {transform_indices = @transform_4, window_bounds = array<i64: 1000, 1>}, {pipeline_mode = #tpu.pipeline_mode<synchronous>, transform_indices = @transform_5, window_bounds = array<i64: 8, 128>}, {pipeline_mode = #tpu.pipeline_mode<synchronous>, transform_indices = @transform_6, window_bounds = array<i64: 8, 128>}, {transform_indices = @transform_7, window_bounds = array<i64: 1, 1000, 1>}, {transform_indices = @transform_8, window_bounds = array<i64: 1, 1000, 1>}, {pipeline_mode = #tpu.pipeline_mode<synchronous>, transform_indices = @transform_9, window_bounds = array<i64: 1, 128>}, {pipeline_mode = #tpu.pipeline_mode<synchronous>, transform_indices = @transform_10, window_bounds = array<i64: 128, 128>}, {pipeline_mode = #tpu.pipeline_mode<synchronous>, transform_indices = @transform_11, window_bounds = array<i64: 1, 128>}, {transform_indices = @transform_12, window_bounds = array<i64: 1000, 128>}]} {
    %get3A = arith.constant 0 : index
    %get3A_0 = arith.constant 0 : index
    %get3A_1 = vector.load %arg6[%get3A, %get3A_0] : memref<8x128xf32, #tpu.memory_space<vmem>>, vector<1x1xf32>
    %get3A_2 = vector.extract %get3A_1[0, 0] : f32 from vector<1x1xf32>
    %get3A_3 = arith.constant 0 : index
    %get3A_4 = arith.constant 0 : index
    %get3A_5 = vector.load %arg7[%get3A_3, %get3A_4] : memref<8x128xf32, #tpu.memory_space<vmem>>, vector<1x1xf32>
    %get3A_6 = vector.extract %get3A_5[0, 0] : f32 from vector<1x1xf32>
    %get3A_7 = arith.constant 0 : index
    %get3A_8 = arith.constant 0 : index
    %get3A_9 = vector.load %arg5[%get3A_7, %get3A_8] : memref<1000x1xf32, #tpu.memory_space<vmem>>, vector<1000x1xf32>
    %sub3A = arith.subf %get3A_2, %get3A_6 : f32
    %sub3A_10 = vector.broadcast %sub3A : f32 to vector<1000x1xf32>
    %sub3A_11 = arith.subf %get3A_9, %sub3A_10 : vector<1000x1xf32>
    %exp3A = math.exp %sub3A_11 : vector<1000x1xf32>
    %mul3A = arith.constant 2.000000e-01 : f32
    %mul3A_12 = vector.broadcast %mul3A : f32 to vector<1000x1xf32>
    %mul3A_13 = arith.mulf %mul3A_12, %get3A_9 : vector<1000x1xf32>
    %mul3A_14 = arith.constant 2.000000e-01 : f32
    %mul3A_15 = arith.mulf %mul3A_14, %get3A_6 : f32
    %sub3A_16 = arith.subf %get3A_2, %mul3A_15 : f32
    %sub3A_17 = vector.broadcast %sub3A_16 : f32 to vector<1000x1xf32>
    %sub3A_18 = arith.subf %mul3A_13, %sub3A_17 : vector<1000x1xf32>
    %exp3A_19 = math.exp %sub3A_18 : vector<1000x1xf32>
    %get3A_20 = arith.constant 0 : index
    %get3A_21 = arith.constant 0 : index
    %get3A_22 = arith.constant 0 : index
    %get3A_23 = vector.load %arg8[%get3A_20, %get3A_21, %get3A_22] : memref<1x1000x1xf32, #tpu.memory_space<vmem>>, vector<1x1000x1xf32>
    %get3A_24 = vector.shape_cast %get3A_23 : vector<1x1000x1xf32> to vector<1000x1xf32>
    %get3A_25 = arith.constant 0 : index
    %get3A_26 = arith.constant 0 : index
    %get3A_27 = arith.constant 0 : index
    %get3A_28 = vector.load %arg9[%get3A_25, %get3A_26, %get3A_27] : memref<1x1000x1xf32, #tpu.memory_space<vmem>>, vector<1x1000x1xf32>
    %get3A_29 = vector.shape_cast %get3A_28 : vector<1x1000x1xf32> to vector<1000x1xf32>
    %add3A = arith.addf %get3A_24, %get3A_29 : vector<1000x1xf32>
    %add3A_30 = arith.constant 1.000000e-16 : f32
    %add3A_31 = vector.broadcast %add3A_30 : f32 to vector<1000x1xf32>
    %add3A_32 = arith.addf %add3A, %add3A_31 : vector<1000x1xf32>
    %div3A = arith.constant 1.000000e+00 : f32
    %div3A_33 = vector.broadcast %div3A : f32 to vector<1000x1xf32>
    %div3A_34 = arith.divf %div3A_33, %add3A_32 : vector<1000x1xf32>
    %get3A_35 = arith.constant 0 : index
    %get3A_36 = arith.constant 0 : index
    %get3A_37 = arith.constant 0 : index
    %get3A_38 = vector.load %arg1[%get3A_35, %get3A_36, %get3A_37] : memref<1x1000x64xf32, #tpu.memory_space<vmem>>, vector<1x1000x64xf32>
    %get3A_39 = vector.shape_cast %get3A_38 : vector<1x1000x64xf32> to vector<1000x64xf32>
    %mul3A_40 = vector.broadcast %exp3A : vector<1000x1xf32> to vector<1000x64xf32>
    %mul3A_41 = arith.mulf %get3A_39, %mul3A_40 : vector<1000x64xf32>
    %get3A_42 = arith.constant 0 : index
    %get3A_43 = arith.constant 0 : index
    %get3A_44 = arith.constant 0 : index
    %get3A_45 = vector.load %arg2[%get3A_42, %get3A_43, %get3A_44] : memref<1x1000x64xf32, #tpu.memory_space<vmem>>, vector<1x1000x64xf32>
    %get3A_46 = vector.shape_cast %get3A_45 : vector<1x1000x64xf32> to vector<1000x64xf32>
    %mul3A_47 = vector.broadcast %exp3A_19 : vector<1000x1xf32> to vector<1000x64xf32>
    %mul3A_48 = arith.mulf %get3A_46, %mul3A_47 : vector<1000x64xf32>
    %add3A_49 = arith.addf %mul3A_41, %mul3A_48 : vector<1000x64xf32>
    %mul3A_50 = vector.broadcast %div3A_34 : vector<1000x1xf32> to vector<1000x64xf32>
    %mul3A_51 = arith.mulf %add3A_49, %mul3A_50 : vector<1000x64xf32>
    %get3A_52 = arith.constant 0 : index
    %get3A_53 = arith.constant 0 : index
    %get3A_54 = vector.load %arg10[%get3A_52, %get3A_53] : memref<1x128xf32, #tpu.memory_space<vmem>>, vector<1x64xf32>
    %add3A_55 = vector.broadcast %get3A_54 : vector<1x64xf32> to vector<1000x64xf32>
    %add3A_56 = arith.addf %mul3A_51, %add3A_55 : vector<1000x64xf32>
    %max3A = arith.constant 0.000000e+00 : f32
    %max3A_57 = vector.broadcast %max3A : f32 to vector<1000x64xf32>
    %max3A_58 = arith.maximumf %add3A_56, %max3A_57 : vector<1000x64xf32>
    %get3A_59 = arith.constant 0 : index
    %get3A_60 = arith.constant 0 : index
    %get3A_61 = arith.constant 0 : index
    %get3A_62 = vector.load %arg3[%get3A_59, %get3A_60, %get3A_61] : memref<1x1000x64xf32, #tpu.memory_space<vmem>>, vector<1x1000x64xf32>
    %get3A_63 = vector.shape_cast %get3A_62 : vector<1x1000x64xf32> to vector<1000x64xf32>
    %mul3A_64 = vector.broadcast %exp3A : vector<1000x1xf32> to vector<1000x64xf32>
    %mul3A_65 = arith.mulf %get3A_63, %mul3A_64 : vector<1000x64xf32>
    %get3A_66 = arith.constant 0 : index
    %get3A_67 = arith.constant 0 : index
    %get3A_68 = arith.constant 0 : index
    %get3A_69 = vector.load %arg4[%get3A_66, %get3A_67, %get3A_68] : memref<1x1000x64xf32, #tpu.memory_space<vmem>>, vector<1x1000x64xf32>
    %get3A_70 = vector.shape_cast %get3A_69 : vector<1x1000x64xf32> to vector<1000x64xf32>
    %mul3A_71 = vector.broadcast %exp3A_19 : vector<1000x1xf32> to vector<1000x64xf32>
    %mul3A_72 = arith.mulf %get3A_70, %mul3A_71 : vector<1000x64xf32>
    %add3A_73 = arith.addf %mul3A_65, %mul3A_72 : vector<1000x64xf32>
    %mul3A_74 = vector.broadcast %div3A_34 : vector<1000x1xf32> to vector<1000x64xf32>
    %mul3A_75 = arith.mulf %add3A_73, %mul3A_74 : vector<1000x64xf32>
    %get3A_76 = arith.constant 0 : index
    %get3A_77 = arith.constant 64 : index
    %get3A_78 = vector.load %arg10[%get3A_76, %get3A_77] : memref<1x128xf32, #tpu.memory_space<vmem>>, vector<1x64xf32>
    %add3A_79 = vector.broadcast %get3A_78 : vector<1x64xf32> to vector<1000x64xf32>
    %add3A_80 = arith.addf %mul3A_75, %add3A_79 : vector<1000x64xf32>
    %max3A_81 = arith.constant 0.000000e+00 : f32
    %max3A_82 = vector.broadcast %max3A_81 : f32 to vector<1000x64xf32>
    %max3A_83 = arith.maximumf %add3A_80, %max3A_82 : vector<1000x64xf32>
    %get3A_84 = arith.constant 0 : index
    %get3A_85 = arith.constant 0 : index
    %get3A_86 = vector.load %arg11[%get3A_84, %get3A_85] : memref<128x128xf32, #tpu.memory_space<vmem>>, vector<64x128xf32>
    %dot_general3A = arith.constant dense<0.000000e+00> : vector<1000x128xf32>
    %dot_general3A_87 = tpu.matmul %max3A_58, %get3A_86, %dot_general3A {dimension_numbers = #tpu.dot_dimension_numbers<[1], [0], [0], [1], [0, 0, 1, 1], [], []>, transpose_lhs_hint = false} : vector<1000x64xf32>, vector<64x128xf32>, vector<1000x128xf32> -> vector<1000x128xf32>
    %get3A_88 = arith.constant 64 : index
    %get3A_89 = arith.constant 0 : index
    %get3A_90 = vector.load %arg11[%get3A_88, %get3A_89] : memref<128x128xf32, #tpu.memory_space<vmem>>, vector<64x128xf32>
    %dot_general3A_91 = arith.constant dense<0.000000e+00> : vector<1000x128xf32>
    %dot_general3A_92 = tpu.matmul %max3A_83, %get3A_90, %dot_general3A_91 {dimension_numbers = #tpu.dot_dimension_numbers<[1], [0], [0], [1], [0, 0, 1, 1], [], []>, transpose_lhs_hint = false} : vector<1000x64xf32>, vector<64x128xf32>, vector<1000x128xf32> -> vector<1000x128xf32>
    %add3A_93 = arith.addf %dot_general3A_87, %dot_general3A_92 : vector<1000x128xf32>
    %get3A_94 = arith.constant 0 : index
    %get3A_95 = arith.constant 0 : index
    %get3A_96 = vector.load %arg12[%get3A_94, %get3A_95] : memref<1x128xf32, #tpu.memory_space<vmem>>, vector<1x128xf32>
    %add3A_97 = vector.broadcast %get3A_96 : vector<1x128xf32> to vector<1000x128xf32>
    %add3A_98 = arith.addf %add3A_93, %add3A_97 : vector<1000x128xf32>
    %swap3A = arith.constant 0 : index
    %swap3A_99 = arith.constant 0 : index
    %swap3A_100 = vector.load %arg13[%swap3A, %swap3A_99] : memref<1000x128xf32, #tpu.memory_space<vmem>>, vector<1000x128xf32>
    tpu.vector_store %arg13[%swap3A, %swap3A_99], %add3A_98 {strides = array<i32>} : memref<1000x128xf32, #tpu.memory_space<vmem>>, vector<1000x128xf32>,
    return
  }
  func.func @transform_0(%arg0: i32) -> (i32, i32, i32) {
    %c0_i32 = arith.constant 0 : i32
    %c0_i32_0 = arith.constant 0 : i32
    %c0_i32_1 = arith.constant 0 : i32
    return %c0_i32, %arg0, %c0_i32_0 : i32, i32, i32
  }
  func.func @transform_1(%arg0: i32) -> (i32, i32, i32) {
    %add3A = arith.constant 10 : i32
    %add3A_0 = arith.addi %add3A, %arg0 : i32
    %c0_i32 = arith.constant 0 : i32
    %c0_i32_1 = arith.constant 0 : i32
    %c0_i32_2 = arith.constant 0 : i32
    return %c0_i32, %add3A_0, %c0_i32_1 : i32, i32, i32
  }
  func.func @transform_2(%arg0: i32) -> (i32, i32, i32) {
    %c1_i32 = arith.constant 1 : i32
    %c0_i32 = arith.constant 0 : i32
    %c0_i32_0 = arith.constant 0 : i32
    return %c1_i32, %arg0, %c0_i32 : i32, i32, i32
  }
  func.func @transform_3(%arg0: i32) -> (i32, i32, i32) {
    %add3A = arith.constant 10 : i32
    %add3A_0 = arith.addi %add3A, %arg0 : i32
    %c1_i32 = arith.constant 1 : i32
    %c0_i32 = arith.constant 0 : i32
    %c0_i32_1 = arith.constant 0 : i32
    return %c1_i32, %add3A_0, %c0_i32 : i32, i32, i32
  }
  func.func @transform_4(%arg0: i32) -> (i32, i32) {
    %c0_i32 = arith.constant 0 : i32
    %c0_i32_0 = arith.constant 0 : i32
    return %arg0, %c0_i32 : i32, i32
  }
  func.func @transform_5(%arg0: i32) -> (i32, i32) {
    %c0_i32 = arith.constant 0 : i32
    %c0_i32_0 = arith.constant 0 : i32
    %c0_i32_1 = arith.constant 0 : i32
    return %c0_i32, %c0_i32_0 : i32, i32
  }
  func.func @transform_6(%arg0: i32) -> (i32, i32) {
    %c0_i32 = arith.constant 0 : i32
    %c0_i32_0 = arith.constant 0 : i32
    %c0_i32_1 = arith.constant 0 : i32
    return %c0_i32, %c0_i32_0 : i32, i32
  }
  func.func @transform_7(%arg0: i32) -> (i32, i32, i32) {
    %c0_i32 = arith.constant 0 : i32
    %c0_i32_0 = arith.constant 0 : i32
    %c0_i32_1 = arith.constant 0 : i32
    return %c0_i32, %arg0, %c0_i32_0 : i32, i32, i32
  }
  func.func @transform_8(%arg0: i32) -> (i32, i32, i32) {
    %c1_i32 = arith.constant 1 : i32
    %c0_i32 = arith.constant 0 : i32
    %c0_i32_0 = arith.constant 0 : i32
    return %c1_i32, %arg0, %c0_i32 : i32, i32, i32
  }
  func.func @transform_9(%arg0: i32) -> (i32, i32) {
    %c0_i32 = arith.constant 0 : i32
    %c0_i32_0 = arith.constant 0 : i32
    %c0_i32_1 = arith.constant 0 : i32
    return %c0_i32, %c0_i32_0 : i32, i32
  }
  func.func @transform_10(%arg0: i32) -> (i32, i32) {
    %c0_i32 = arith.constant 0 : i32
    %c0_i32_0 = arith.constant 0 : i32
    %c0_i32_1 = arith.constant 0 : i32
    return %c0_i32, %c0_i32_0 : i32, i32
  }
  func.func @transform_11(%arg0: i32) -> (i32, i32) {
    %c0_i32 = arith.constant 0 : i32
    %c0_i32_0 = arith.constant 0 : i32
    %c0_i32_1 = arith.constant 0 : i32
    return %c0_i32, %c0_i32_0 : i32, i32
  }
  func.func @transform_12(%arg0: i32) -> (i32, i32) {
    %c0_i32 = arith.constant 0 : i32
    %c0_i32_0 = arith.constant 0 : i32
    return %arg0, %c0_i32 : i32, i32
  }
}

</mosaic_0001>

<sc_bundles>
// kernel: kernel.10.cloned.1.call-start
scs
__scs_entry_jumppad:
0x0: {  	(pc) =	sbr.rel $0x88, $3  }
0x1: {  	(tag) =	ssettag $0x0;
	lr =	simm.s32 $0x1  }
0x2: {  	[smem:$0x3F98] =	sst lr;
	_ =	strace $0xD0000000  }
0x3: {  	_ = 	snop  }
0x4: {  	_ = 	snop  }
0x5: {  	_ = 	snop  }
0x6: {  	_ = 	snop  }
0x7: {  	_ = 	snop  }
__scs_overlays_trampoline_lowered:
0x8: {  	[smem:$0x3FA7] =	sst s0  }
0x9: {  	[smem:$0x3FA8] =	sst s1  }
0xa: {  	[smem:$0x3FA9] =	sst s2  }
0xb: {  	[smem:$0x3FAA] =	sst s3  }
0xc: {  	[smem:$0x3FAB] =	sst s4  }
0xd: {  	[smem:$0x3FAC] =	sst s5  }
0xe: {  	[smem:$0x3FAD] =	sst s6  }
0xf: {  	[smem:$0x3FAE] =	sst s7  }
0x10: {  	[smem:$0x3FAF] =	sst s8  }
0x11: {  	[smem:$0x3FB0] =	sst s9;
	s0 =	simm.s32 @!p0 $0x0  }
0x12: {  	s1 =	sld [smem:$0x3F96];
	s0 =	simm.s32 @p0 $0x1  }
0x13: {  	[smem:$0x3FB1] =	sst s0;
	s0 =	simm.s32 @!p1 $0x0  }
0x14: {  	s2 =	sld [smem:$0x3F95];
	s0 =	simm.s32 @p1 $0x1  }
0x15: {  	[smem:$0x3FB2] =	sst s0;
	s0 =	simm.s32 @!p2 $0x0  }
0x16: {  	s3 =	sld [smem:$0x3FDB];
	s0 =	simm.s32 @p2 $0x1  }
0x17: {  	s4 =	simm.s32 $0x1BF5;
	[smem:$0x3FB4] =	sst s0  }
0x18: {  	s0 =	sld [smem:$0x3F97];
	_ =	swait.ge [sflag:s4], $0x0  }
0x19: {  	s7 =	sld [smem:$0x3F98]  }
0x1a: {  	s8 =	sadd.s32 $0xFFFFE003, lr  }
0x1b: {  	s9 =	sadd.s32 $0xFFFFFEF7, lr;
	s5 =	simm.s32 $0xFFFFFFFF;
	p2 =	slt.u32 s8, $0xFFFFF086  }
0x1c: {  	p1 =	slt.u32 s9, $0xF7A;
	s5 =	simm.s32 @!p2 $0x0  }
0x1d: {  	s5 =	simm.s32 @p1 $0x1;
	p0 =	seq.s32 s7, s2  }
0x1e: {  	s7 =	smul.u32 @!p0 $0xF7A, s2;
	p2 =	seq.s32 @!p0 s5, $0x0  }
0x1f: {  	s9 =	smul.u32 $0xF7A, s1;
	s8 =	simm.s32 @!p0 $0x1BF5;
	p2 =	por !p2, p0  }
0x20: {  	[sflag:s8] =	ssyncset.s32 @!p0 $0xFFFFF086;
	s6 =	sadd.s32 @!p0 s3, s7;
	s7 =	simm.s32 @!p0 $0x108  }
0x21: {  	s3 =	sadd.s32 s3, s9;
	s6 =	sadd.s32 @!p0 $0x88, s6;
	s7 =	simm.s32 @p2 $0x1082  }
0x22: {  	[simem:s7], [sflag:s8] =	dma.local @!p0 [hbm:s6], $0xF7A  }
0x23: {  	s9 =	sor.u32 $0xD0000000, s2;
	s6 =	simm.s32 $0x108;
	_ =	swait.ge @!p0 [sflag:s8], $0x0  }
0x24: {  	s3 =	sadd.s32 $0x88, s3;
	s6 =	simm.s32 @!p1 $0x1082;
	[sflag:s4] =	ssyncset.s32 $0xFFFFF086  }
0x25: {  	[simem:s6], [sflag:s4] =	dma.local [hbm:s3], $0xF7A  }
0x26: {  	[smem:$0x3F98] =	sst s1;
	(tag) =	ssettag s2;
	_ =	strace s9  }
0x27: {  	s1 =	sld [smem:$0x3FA8]  }
0x28: {  	s2 =	sld [smem:$0x3FA9]  }
0x29: {  	s4 =	sld [smem:$0x3FAB]  }
0x2a: {  	p0 =	seq.s32 s5, $0x0;
	s5 =	sld [smem:$0x3FAC]  }
0x2b: {  	s6 =	sld [smem:$0x3FAD]  }
0x2c: {  	s7 =	sld [smem:$0x3FAE]  }
0x2d: {  	s3 =	simm.s32 $0x108;
	s8 =	sld [smem:$0x3FAF]  }
0x2e: {  	s3 =	simm.s32 @!p0 $0x1082;
	s9 =	sld [smem:$0x3FB0]  }
0x2f: {  	lr =	sadd.s32 s0, s3;
	s0 =	sld [smem:$0x3FA7]  }
0x30: {  	s3 =	sld [smem:$0x3FAA]  }
0x31: {  	[smem:$0x3FB3] =	sst s10  }
0x32: {  	s10 =	sld [smem:$0x3FB1];
	_ =	sdelay $0x3  }
0x33: {  	p0 =	seq.s32 s10, $0x1;
	s10 =	sld [smem:$0x3FB3];
	_ =	sdelay $0x3  }
0x34: {  	[smem:$0x3FB3] =	sst s10  }
0x35: {  	s10 =	sld [smem:$0x3FB2];
	_ =	sdelay $0x3  }
0x36: {  	p1 =	seq.s32 s10, $0x1;
	s10 =	sld [smem:$0x3FB3];
	_ =	sdelay $0x3  }
0x37: {  	[smem:$0x3FB3] =	sst s10  }
0x38: {  	s10 =	sld [smem:$0x3FB4]  }
0x39: {  	_ = 	snop;
	(pc) =	sbr.ind lr, $3  }
0x3a: {  	_ = 	snop  }
0x3b: {  	_ = 	snop  }
0x3c: {  	p2 =	seq.s32 s10, $0x1;
	s10 =	sld [smem:$0x3FB3]  }
0x3d: {  	_ =	shalt  }
0x3e: {  	_ =	shalt  }
0x3f: {  	_ =	shalt  }
0x40: {  	_ =	shalt  }
0x41: {  	_ =	shalt  }
0x42: {  	_ =	shalt  }
0x43: {  	_ =	shalt  }
0x44: {  	_ =	shalt  }
0x45: {  	_ =	shalt  }
0x46: {  	_ =	shalt  }
0x47: {  	_ =	shalt  }
0x48: {  	_ =	shalt  }
0x49: {  	_ =	shalt  }
0x4a: {  	_ =	shalt  }
0x4b: {  	_ =	shalt  }
0x4c: {  	_ =	shalt  }
0x4d: {  	_ =	shalt  }
0x4e: {  	_ =	shalt  }
0x4f: {  	_ =	shalt  }
0x50: {  	_ =	shalt  }
0x51: {  	_ =	shalt  }
0x52: {  	_ =	shalt  }
0x53: {  	_ =	shalt  }
0x54: {  	_ =	shalt  }
0x55: {  	_ =	shalt  }
0x56: {  	_ =	shalt  }
0x57: {  	_ =	shalt  }
0x58: {  	_ =	shalt  }
0x59: {  	_ =	shalt  }
0x5a: {  	_ =	shalt  }
0x5b: {  	_ =	shalt  }
0x5c: {  	_ =	shalt  }
0x5d: {  	_ =	shalt  }
0x5e: {  	_ =	shalt  }
0x5f: {  	_ =	shalt  }
0x60: {  	_ =	shalt  }
0x61: {  	_ =	shalt  }
0x62: {  	_ =	shalt  }
0x63: {  	_ =	shalt  }
0x64: {  	_ =	shalt  }
0x65: {  	_ =	shalt  }
0x66: {  	_ =	shalt  }
0x67: {  	_ =	shalt  }
0x68: {  	_ =	shalt  }
0x69: {  	_ =	shalt  }
0x6a: {  	_ =	shalt  }
0x6b: {  	_ =	shalt  }
0x6c: {  	_ =	shalt  }
0x6d: {  	_ =	shalt  }
0x6e: {  	_ =	shalt  }
0x6f: {  	_ =	shalt  }
0x70: {  	_ =	shalt  }
0x71: {  	_ =	shalt  }
0x72: {  	_ =	shalt  }
0x73: {  	_ =	shalt  }
0x74: {  	_ =	shalt  }
0x75: {  	_ =	shalt  }
0x76: {  	_ =	shalt  }
0x77: {  	_ =	shalt  }
0x78: {  	_ =	shalt  }
0x79: {  	_ =	shalt  }
0x7a: {  	_ =	shalt  }
0x7b: {  	_ =	shalt  }
0x7c: {  	_ =	shalt  }
0x7d: {  	_ =	shalt  }
0x7e: {  	_ =	shalt  }
0x7f: {  	_ =	shalt  }
0x80: {  	_ =	shalt  }
0x81: {  	_ =	shalt  }
0x82: {  	_ =	shalt  }
0x83: {  	_ =	shalt  }
0x84: {  	_ =	shalt  }
0x85: {  	_ =	shalt  }
0x86: {  	_ =	shalt  }
0x87: {  	_ =	shalt  }
.Lfunc_end0:
.L_simem_size_0:
called_computation.1_lowered:
.L_overlay_start_0:
0x88: {  	s2 =	sld [smem:$0x3FD9]  }
0x89: {  	s3 =	sld [smem:$0x3FFE];
	_ =	sdelay $0x1  }
0x8a: {  	s1 =	srdreg.scid  }
0x8b: {  	s0 =	sand.u32 $0x1, s1  }
0x8c: {  	s16 =	sshll.u32 s0, $0xA;
	s2 =	sadd.s32 s3, s2  }
0x8d: {  	s2 =	sadd.s32 s2, s16  }
0x8e: {  	[smem:$0x3FBF] =	sst s2  }
0x8f: {  	_ = 	snop  }
0x90: {  	(tm) =	ssettm $0x1  }
0x91: {  	s17 =	sld [smem:$0x3FFB];
	_ =	sdelay $0x3  }
0x92: {  	_ =	strace s17  }
0x93: {  	s2 =	sld [smem:$0x3FFC];
	_ =	sdelay $0x3  }
0x94: {  	_ =	strace s2  }
0x95: {  	s2 =	sld [smem:$0x3FFD];
	_ =	sdelay $0x3  }
0x96: {  	_ =	strace s2  }
0x97: {  	_ =	strace $0x8FFFFFFF  }
0x98: {  	s18 =	sld [smem:$0x3FDB];
	_ =	sdelay $0x1  }
0x99: {  	s19 =	simm.s32 $_scs_section_size  }
0x9a: {  	s4 =	simm.s32 $_size__tile_overlayer_lowered;
	s5 =	simm.s32 $_tile_overlayer_lowered  }
0x9b: {  	s22 =	simm.s32 $0x1BFF;
	s21 =	sshll.u32 s5, $0x1;
	s2 =	sadd.s32 s19, s18  }
0x9c: {  	s6 =	simm.s32 $0x0;
	s20 =	sshll.u32 s4, $0x1;
	s4 =	sadd.s32 s21, s2  }
0x9d: {  	[timem:s6], [sflag:s22] =	dma.local [hbm:s4], s20  }
0x9e: {  	_ =	swait.ge [sflag:s22], s20  }
0x9f: {  	s3 =	ssub.s32 $0x0, s20;
	[sflag:s22] =	ssyncset.done $0x0  }
0xa0: {  	[sflag:s22] =	ssyncadd.s32 s3;
	_ =	sdelay $0x1  }
0xa1: {  	s23 =	simm.s32 $0x1B8B  }
0xa2: {  	_ =	swait.ge [sflag:s23], $0x1  }
0xa3: {  	[sflag:s23] =	ssyncset.done $0x0  }
0xa4: {  	s25 =	simm.s32 $0x1B8E;
	s24 =	sld [smem:$0x3FFE];
	[sflag:s23] =	ssyncadd.s32 $0xFFFFFFFF  }
0xa5: {  	s26 =	simm.s32 $execute0_lowered;
	[smem:$0x3FD2] =	sst s25  }
0xa6: {  	s4 =	sshll.u32 s26, $0x1;
	_ =	strace $0x80000049;
	[dreg:$0x1] =	wrdreg $0xFFFFFFFF  }
0xa7: {  	s28 =	simm.s32 $_size_execute0_lowered;
	s2 =	sadd.s32 s2, s4;
	[dreg:$0x0] =	wrdreg $0x0  }
0xa8: {  	s4 =	sshll.u32 s28, $0x1;
	[dreg:$0x2] =	wrdreg s2  }
0xa9: {  	[dreg:$0x3] =	wrdreg s4  }
0xaa: {  	[dreg:$0x4] =	wrdreg $0xC0  }
0xab: {  	_ =	task [dreg:s6], $0x5FFFF  }
0xac: {  	[dreg:$0x1] =	wrdreg $0xFFFFFFFF  }
0xad: {  	[dreg:$0x0] =	wrdreg $0x60  }
0xae: {  	[dreg:$0x2] =	wrdreg s24  }
0xaf: {  	[dreg:$0x3] =	wrdreg $0x76C00  }
0xb0: {  	[dreg:$0x4] =	wrdreg $0x9  }
0xb1: {  	_ =	task.clear_ibuf [dreg:s6], $0x5FFFF;
	_ =	strace $0x90000049  }
0xb2: {  	s29 =	simm.s32 $0x9;
	_ =	strace $0x8000004B  }
0xb3: {  	_ =	swait.ge [sflag:s29], $0x1  }
0xb4: {  	[sflag:s29] =	ssyncadd.s32 $0xFFFFFFFF  }
0xb5: {  	_ =	strace $0x9000004B  }
0xb6: {  	_ =	sfence  }
0xb7: {  	s30 =	sld [smem:$0x0];
	_ =	sdelay $0x2  }
0xb8: {  	s31 =	sshll.u32 s1, $0xD;
	s1 =	sshrl.u32 s1, $0x2  }
0xb9: {  	s3 =	sand.u32 $0x4000, s31;
	s1 =	sadd.s32 s1, s30  }
0xba: {  	s0 =	sor.u32 s3, s0;
	s1 =	sshll.u32 s1, $0x11  }
0xbb: {  	s0 =	sor.u32 s1, s0  }
0xbc: {  	s0 =	sadd.s32 $0x8F2B, s0  }
0xbd: {  	[sflag:s0] =	ssyncadd.remote.s32 $0x1  }
0xbe: {  	_ =	sfence.sel $0xFFFF  }
0xbf: {  	[dreg:$0x0] =	wrdreg $0xFFFFFFFF;
	(pc) =	sbr.abs _section_cstart, $3  }
0xc0: {  	[dreg:$0x1] =	wrdreg $0xFFFFFFFF  }
0xc1: {  	_ =	task.clear_ibuf [dreg:s6], $0x2FFFF;
	_ =	strace $0x9FFFFFFF  }
0xc2: {  	(tm) =	ssettm $0x7FFFFFFF  }
0xc3: {  	_ =	shalt  }
tec
execute0_lowered:
.L_overlay_start_1:
0x0: {  	(tag) =	ssettag $0x1  }
0x1: {  	s4 =	rddreg [dreg:$0x0];
	s0 =	srdreg.scid  }
0x2: {  	s2 =	rddreg [dreg:$0x1];
	s1 =	stileid.u32  }
0x3: {  	s3 =	simm.s32 $0x0;
	s15 =	simm.s32 $0x4E20;
	s16 =	simm.s32 $0x62C0  }
0x4: {  	s17 =	simm.s32 $0x4E70;
	s18 =	simm.s32 $0x1;
	s7 =	smul.u32 $0x4E20, s1  }
0x5: {  	s19 =	simm.s32 $0x3;
	s20 =	simm.s32 $0x2;
	s9 =	smul.u32 $0x13880, s1  }
0x6: {  	s21 =	simm.s32 $0x4;
	s22 =	simm.s32 $0x0;
	s12 =	smul.u32 $0x4E200, s1  }
0x7: {  	s5 =	sand.u32 $0x1, s0;
	s0 =	rddreg [dreg:$0x2];
	s14 =	smul.u32 $0x9C4, s1  }
0x8: {  	[smem:$0x7FF] =	sst s3;
	s11 =	sadd.s32 $0x5BA00, s4;
	s6 =	smul.u32 $0x138800, s5  }
0x9: {  	_ =	strace $0x8000004A;
	s5 =	ssub.s32 $0x2, s5;
	s7 =	sshrl.u32 s7, $0x3  }
0xa: {  	s30 =	sshrl.u32 s5, $0x1;
	s31 =	sshrl.u32 s12, $0x2;
	s12 =	simm.s32 $0x5  }
0xb: {  	s8 =	sshrl.u32 s6, $0x3;
	s10 =	sadd.s32 s7, s4;
	s6 =	sadd.s32 s9, s6  }
0xc: {  	s9 =	ssub.s32 s5, s30;
	s8 =	sadd.s32 s8, s4;
	s6 =	sshrl.u32 s6, $0x3  }
0xd: {  	s13 =	sadd.s32 s6, s4;
	s4 =	sadd.s32 $0x51C00, s10;
	s5 =	sadd.s32 $0x2000, s8  }
0xe: {  	s6 =	sadd.s32 s11, s7;
	s11 =	sadd.s32 s14, s11;
	s8 =	smax.u32 s9, $0x1  }
0xf: {  	s9 =	sadd.s32 s31, s2;
	s14 =	simm.s32 $0x50;
	s7 =	sadd.s32 $0xA, s6  }
0x10: {  	v0 =	vimm.f32 $0.0e+00;
	s10 =	sadd.s32 $0x1E, s11;
	s11 =	sadd.s32 $0x65800, s13;
	s13 =	simm.s32 $0x4EC0  }
.LBB2_1:
0x11: {  	[tilespmem:s3], [sflag:$0x5] =	stream.linear.gather [hbm4b:s4+s3], $0x4E20, $0x38;
	[tilespmem:$0x1AF40] =	vst v63  }
0x12: {  	_ =	swait.ge [sflag:s12], $0x4E20  }
0x13: {  	[sflag:s12] =	ssyncset.done $0x0  }
0x14: {  	s23 =	simm.s32 $0x0;
	[sflag:s12] =	ssyncadd.s32 $0xFFFFB1E0  }
.LBB2_2:
0x15: {  	p0 =	sne.s32 s23, $0x4F00  }
.Ltmp0:
0x16: {  	s24 =	sshra.s32 s23, $0x2;
	(pc) =	sbr.rel @p0 .LBB2_2-.Ltmp0, $4  }
0x17: {  	[tilespmem:s24+$0x4EC0] =	vst v0  }
0x18: {  	[tilespmem:s24+$0x4ED0] =	vst v0  }
0x19: {  	[tilespmem:s24+$0x4EE0] =	vst v0  }
0x1a: {  	s23 =	sadd.s32 $0x100, s23;
	[tilespmem:s24+$0x4EF0] =	vst v0  }
0x1b: {  	s23 =	sadd.s32 $0x0, s9  }
0x1c: {  	[spmem:s23] =	stream.linear.scatter [tilespmem:s13], [sflag:$0x5], $0xC80, $0x38;
	[tilespmem:$0x1AF40] =	vst v63  }
0x1d: {  	s23 =	simm.s32 $0x3200;
	_ =	swait.ge [sflag:s12], $0xC80  }
.LBB2_4:
0x1e: {  	s24 =	sshra.s32 s23, $0x2;
	[sflag:s12] =	ssyncset.done $0x0;
	p0 =	sne.s32 s23, $0x4B000  }
.Ltmp1:
0x1f: {  	s24 =	sadd.s32 s24, s9;
	[sflag:s12] =	ssyncadd.s32 $0xFFFFF380;
	(pc) =	sbr.rel @p0 .LBB2_4-.Ltmp1, $3  }
0x20: {  	[spmem:s24] =	stream.linear.scatter [tilespmem:s13], [sflag:$0x5], $0xC80, $0x38;
	[tilespmem:$0x1AF40] =	vst v63  }
0x21: {  	s23 =	sadd.s32 $0x3200, s23;
	_ =	sdelay $0x1  }
0x22: {  	_ =	swait.ge [sflag:s12], $0xC80  }
0x23: {  	[sflag:s12] =	ssyncset.done $0x0  }
0x24: {  	[sflag:s12] =	ssyncadd.s32 $0xFFFFF380  }
0x25: {  	[bflag:$0x0] =	sbarrier.arrive $0xFFFF  }
0x26: {  	[tilespmem:s13], [sflag:$0x1] =	stream.indirect.gather [hbm4b:s5+s14], $0x40, s3, s14, $0xb8;
	[tilespmem:$0x1AF40] =	vst v63  }
0x27: {  	_ = 	snop  }
0x28: {  	[tilespmem:s15], [sflag:$0x3] =	stream.linear.gather [hbm4b:s6+s3], $0x50, $0x38;
	[tilespmem:$0x1AF40] =	vst v63  }
0x29: {  	_ = 	snop  }
0x2a: {  	[tilespmem:s16], [sflag:$0x2] =	stream.indirect.gather [hbm4b:s5+s14], $0x40, s14, s14, $0xb8;
	[tilespmem:$0x1AF40] =	vst v63  }
0x2b: {  	_ = 	snop  }
0x2c: {  	[tilespmem:s17], [sflag:$0x4] =	stream.linear.gather [hbm4b:s7+s3], $0x50, $0x38;
	[tilespmem:$0x1AF40] =	vst v63  }
0x2d: {  	_ =	swait.ge [sflag:s18], $0x1400  }
0x2e: {  	[sflag:s18] =	ssyncset.done $0x0  }
0x2f: {  	[sflag:s18] =	ssyncadd.s32 $0xFFFFEC00  }
0x30: {  	_ =	swait.ge [sflag:s19], $0x50  }
0x31: {  	[sflag:s19] =	ssyncset.done $0x0  }
0x32: {  	[sflag:s19] =	ssyncadd.s32 $0xFFFFFFB0  }
0x33: {  	[spmem:s2] =	stream.indirect.scatter.add.f32 [tilespmem:s13], [sflag:$0x5], $0x40, s15, s14, $0xb8;
	[tilespmem:$0x1AF40] =	vst v63  }
0x34: {  	_ =	swait.ge [sflag:s12], $0x1400  }
0x35: {  	[sflag:s12] =	ssyncset.done $0x0  }
0x36: {  	s23 =	simm.s32 $0xA0;
	[sflag:s12] =	ssyncadd.s32 $0xFFFFEC00  }
0x37: {  	[tilespmem:s13], [sflag:$0x1] =	stream.indirect.gather [hbm4b:s5+s14], $0x40, s23, s14, $0xb8;
	[tilespmem:$0x1AF40] =	vst v63  }
0x38: {  	s30 =	sadd.s32 $0xFFFFFFF6, s10  }
0x39: {  	[tilespmem:s15], [sflag:$0x3] =	stream.linear.gather [hbm4b:s30+s3], $0x50, $0x38;
	[tilespmem:$0x1AF40] =	vst v63  }
0x3a: {  	_ =	swait.ge [sflag:s20], $0x1400  }
0x3b: {  	[sflag:s20] =	ssyncset.done $0x0  }
0x3c: {  	[sflag:s20] =	ssyncadd.s32 $0xFFFFEC00  }
0x3d: {  	_ =	swait.ge [sflag:s21], $0x50  }
0x3e: {  	[sflag:s21] =	ssyncset.done $0x0  }
0x3f: {  	[sflag:s21] =	ssyncadd.s32 $0xFFFFFFB0  }
0x40: {  	[spmem:s2] =	stream.indirect.scatter.add.f32 [tilespmem:s16], [sflag:$0x5], $0x40, s17, s14, $0xb8;
	[tilespmem:$0x1AF40] =	vst v63  }
0x41: {  	_ =	swait.ge [sflag:s12], $0x1400  }
0x42: {  	s31 =	simm.s32 $0xF0;
	s24 =	sadd.s32 $0x14, s10;
	[sflag:s12] =	ssyncset.done $0x0  }
0x43: {  	s25 =	smov.u32 s10;
	s23 =	simm.s32 $0xFFFECC80;
	[sflag:s12] =	ssyncadd.s32 $0xFFFFEC00  }
0x44: {  	[tilespmem:s16], [sflag:$0x2] =	stream.indirect.gather [hbm4b:s5+s14], $0x40, s31, s14, $0xb8;
	[tilespmem:$0x1AF40] =	vst v63  }
.LBB2_6:
0x45: {  	[tilespmem:s17], [sflag:$0x4] =	stream.linear.gather [hbm4b:s25+s3], $0x50, $0x38;
	[tilespmem:$0x1AF40] =	vst v63  }
0x46: {  	s26 =	smov.u32 s23;
	s25 =	smov.u32 s24  }
0x47: {  	p0 =	sne.s32 s23, $0xFFFFFD80;
	s23 =	sadd.s32 $0x280, s23;
	_ =	swait.ge [sflag:s18], $0x1400  }
0x48: {  	[sflag:s18] =	ssyncset.done $0x0  }
0x49: {  	[sflag:s18] =	ssyncadd.s32 $0xFFFFEC00  }
0x4a: {  	_ =	swait.ge [sflag:s19], $0x50  }
0x4b: {  	[sflag:s19] =	ssyncset.done $0x0  }
0x4c: {  	[sflag:s19] =	ssyncadd.s32 $0xFFFFFFB0  }
0x4d: {  	[spmem:s2] =	stream.indirect.scatter.add.f32 [tilespmem:s13], [sflag:$0x5], $0x40, s15, s14, $0xb8;
	[tilespmem:$0x1AF40] =	vst v63  }
0x4e: {  	_ =	swait.ge [sflag:s12], $0x1400  }
0x4f: {  	s26 =	sshra.s32 s26, $0x2;
	[sflag:s12] =	ssyncset.done $0x0  }
0x50: {  	s28 =	sadd.s32 $0x4E20, s26;
	[sflag:s12] =	ssyncadd.s32 $0xFFFFEC00  }
0x51: {  	[tilespmem:s13], [sflag:$0x1] =	stream.indirect.gather [hbm4b:s5+s14], $0x40, s28, s14, $0xb8;
	[tilespmem:$0x1AF40] =	vst v63  }
0x52: {  	s28 =	sadd.s32 $0xFFFFFFF6, s24  }
0x53: {  	[tilespmem:s15], [sflag:$0x3] =	stream.linear.gather [hbm4b:s28+s3], $0x50, $0x38;
	[tilespmem:$0x1AF40] =	vst v63  }
0x54: {  	_ =	swait.ge [sflag:s20], $0x1400  }
0x55: {  	[sflag:s20] =	ssyncset.done $0x0  }
0x56: {  	[sflag:s20] =	ssyncadd.s32 $0xFFFFEC00  }
0x57: {  	_ =	swait.ge [sflag:s21], $0x50  }
0x58: {  	[sflag:s21] =	ssyncset.done $0x0  }
0x59: {  	[sflag:s21] =	ssyncadd.s32 $0xFFFFFFB0  }
0x5a: {  	[spmem:s2] =	stream.indirect.scatter.add.f32 [tilespmem:s16], [sflag:$0x5], $0x40, s17, s14, $0xb8;
	[tilespmem:$0x1AF40] =	vst v63  }
.Ltmp2:
0x5b: {  	_ =	swait.ge [sflag:s12], $0x1400;
	(pc) =	sbr.rel @p0 .LBB2_6-.Ltmp2, $4  }
0x5c: {  	[sflag:s12] =	ssyncset.done $0x0  }
0x5d: {  	s26 =	sadd.s32 $0x4E70, s26;
	[sflag:s12] =	ssyncadd.s32 $0xFFFFEC00  }
0x5e: {  	[tilespmem:s16], [sflag:$0x2] =	stream.indirect.gather [hbm4b:s5+s14], $0x40, s26, s14, $0xb8;
	[tilespmem:$0x1AF40] =	vst v63  }
0x5f: {  	s24 =	sadd.s32 $0x14, s24  }
0x60: {  	[tilespmem:s17], [sflag:$0x4] =	stream.linear.gather [hbm4b:s25+s3], $0x50, $0x38;
	[tilespmem:$0x1AF40] =	vst v63  }
0x61: {  	_ =	swait.ge [sflag:s18], $0x1400  }
0x62: {  	[sflag:s18] =	ssyncset.done $0x0  }
0x63: {  	[sflag:s18] =	ssyncadd.s32 $0xFFFFEC00  }
0x64: {  	_ =	swait.ge [sflag:s19], $0x50  }
0x65: {  	[sflag:s19] =	ssyncset.done $0x0  }
0x66: {  	[sflag:s19] =	ssyncadd.s32 $0xFFFFFFB0  }
0x67: {  	[spmem:s2] =	stream.indirect.scatter.add.f32 [tilespmem:s13], [sflag:$0x5], $0x40, s15, s14, $0xb8;
	[tilespmem:$0x1AF40] =	vst v63  }
0x68: {  	_ =	swait.ge [sflag:s12], $0x1400  }
0x69: {  	[sflag:s12] =	ssyncset.done $0x0  }
0x6a: {  	[sflag:s12] =	ssyncadd.s32 $0xFFFFEC00  }
0x6b: {  	_ =	swait.ge [sflag:s20], $0x1400  }
0x6c: {  	[sflag:s20] =	ssyncset.done $0x0  }
0x6d: {  	[sflag:s20] =	ssyncadd.s32 $0xFFFFEC00  }
0x6e: {  	_ =	swait.ge [sflag:s21], $0x50  }
0x6f: {  	[sflag:s21] =	ssyncset.done $0x0  }
0x70: {  	[sflag:s21] =	ssyncadd.s32 $0xFFFFFFB0  }
0x71: {  	[spmem:s2] =	stream.indirect.scatter.add.f32 [tilespmem:s16], [sflag:$0x5], $0x40, s17, s14, $0xb8;
	[tilespmem:$0x1AF40] =	vst v63  }
0x72: {  	_ =	swait.ge [sflag:s12], $0x1400  }
0x73: {  	[sflag:s12] =	ssyncset.done $0x0  }
0x74: {  	s23 =	sshll.u32 s1, $0x6;
	s24 =	sadd.s32 $0x0, s11;
	[sflag:s12] =	ssyncadd.s32 $0xFFFFEC00  }
0x75: {  	s31 =	sshrl.u32 s9, $0x3;
	s23 =	sor.u32 $0x1C05, s23;
	[bflag:$0x0] =	sbarrier.arrive $0xFFFF  }
0x76: {  	[hbm:s24], [sflag:s23] =	dma.local [spmem:s31], $0x190  }
0x77: {  	s25 =	sadd.s32 $0xC80, s9;
	s24 =	simm.s32 $0x190;
	_ =	swait.ge [sflag:s12], $0x190  }
.LBB2_8:
0x78: {  	s26 =	sadd.s32 s24, s11;
	[sflag:s12] =	ssyncset.done $0x0;
	p0 =	sne.s32 s24, $0x2580  }
.Ltmp3:
0x79: {  	s28 =	sshrl.u32 s25, $0x3;
	[sflag:s12] =	ssyncadd.s32 $0xFFFFFE70;
	(pc) =	sbr.rel @p0 .LBB2_8-.Ltmp3, $3  }
0x7a: {  	[hbm:s26], [sflag:s23] =	dma.local [spmem:s28], $0x190  }
0x7b: {  	s24 =	sadd.s32 $0x190, s24;
	_ =	sdelay $0x1  }
0x7c: {  	s25 =	sadd.s32 $0xC80, s25;
	_ =	swait.ge [sflag:s12], $0x190  }
0x7d: {  	s22 =	sadd.s32 $0x1, s22  }
0x7e: {  	p0 =	sne.s32 s22, s8  }
.Ltmp4:
0x7f: {  	_ = 	snop;
	(pc) =	sbr.rel @p0 .LBB2_1-.Ltmp4, $3  }
0x80: {  	_ =	sdelay $0x1  }
0x81: {  	[sflag:s12] =	ssyncset.done $0x0  }
0x82: {  	[sflag:s12] =	ssyncadd.s32 $0xFFFFFE70  }
0x83: {  	_ =	sfence.sel $0x180000  }
0x84: {  	[bflag:$0x0] =	sbarrier.arrive $0xFFFF  }
0x85: {  	p0 =	sne.s32 s1, $0x0;
	_ =	strace $0x9000004A  }
0x86: {  	s0 =	sadd.s32 @!p0 $0x100000, s0;
	[bflag:$0x2] =	sbarrier.arrive $0xFFFF  }
0x87: {  	[sflag:s0] =	ssyncadd.tile.s32 @!p0 $0x1;
	_ =	shalt  }
.Lfunc_end2:
_tile_overlayer_lowered:
.L_overlay_start_2:
0x88: {  	(tag) =	ssettag $0x2  }
0x89: {  	s0 =	rddreg [dreg:$0x0];
	s2 =	stileid.u32  }
0x8a: {  	s1 =	rddreg [dreg:$0x1];
	p0 =	sne.s32 s2, $0x0  }
0x8b: {  	s3 =	rddreg [dreg:$0x2];
	[bflag:$0x3] =	sbarrier.arrive $0xFFFF;
	s2 =	simm.s32 @!p0 $0x1C05  }
0x8c: {  	[timem:s3], [sflag:s2] =	dma.local @!p0 [hbm:s0], s1  }
0x8d: {  	s0 =	simm.s32 @!p0 $0x5  }
0x8e: {  	_ =	swait.ge @!p0 [sflag:s0], s1  }
0x8f: {  	s1 =	ssub.s32 @!p0 $0x0, s1;
	[sflag:s0] =	ssyncset.done @!p0 $0x0  }
0x90: {  	[sflag:s0] =	ssyncadd.s32 @!p0 s1  }
0x91: {  	[bflag:$0x3] =	sbarrier.arrive $0xFFFF  }
0x92: {  	_ =	shalt  }

// kernel: kernel.7.cloned.1.call-start
scs
__scs_entry_jumppad:
0x0: {  	(pc) =	sbr.rel $0x88, $3  }
0x1: {  	(tag) =	ssettag $0x0;
	lr =	simm.s32 $0x1  }
0x2: {  	[smem:$0x3F98] =	sst lr;
	_ =	strace $0xD0000000  }
0x3: {  	_ = 	snop  }
0x4: {  	_ = 	snop  }
0x5: {  	_ = 	snop  }
0x6: {  	_ = 	snop  }
0x7: {  	_ = 	snop  }
__scs_overlays_trampoline_lowered:
0x8: {  	[smem:$0x3FA7] =	sst s0  }
0x9: {  	[smem:$0x3FA8] =	sst s1  }
0xa: {  	[smem:$0x3FA9] =	sst s2  }
0xb: {  	[smem:$0x3FAA] =	sst s3  }
0xc: {  	[smem:$0x3FAB] =	sst s4  }
0xd: {  	[smem:$0x3FAC] =	sst s5  }
0xe: {  	[smem:$0x3FAD] =	sst s6  }
0xf: {  	[smem:$0x3FAE] =	sst s7  }
0x10: {  	[smem:$0x3FAF] =	sst s8  }
0x11: {  	[smem:$0x3FB0] =	sst s9;
	s0 =	simm.s32 @!p0 $0x0  }
0x12: {  	s1 =	sld [smem:$0x3F96];
	s0 =	simm.s32 @p0 $0x1  }
0x13: {  	[smem:$0x3FB1] =	sst s0;
	s0 =	simm.s32 @!p1 $0x0  }
0x14: {  	s2 =	sld [smem:$0x3F95];
	s0 =	simm.s32 @p1 $0x1  }
0x15: {  	[smem:$0x3FB2] =	sst s0;
	s0 =	simm.s32 @!p2 $0x0  }
0x16: {  	s3 =	sld [smem:$0x3FDB];
	s0 =	simm.s32 @p2 $0x1  }
0x17: {  	s4 =	simm.s32 $0x1BF5;
	[smem:$0x3FB4] =	sst s0  }
0x18: {  	s0 =	sld [smem:$0x3F97];
	_ =	swait.ge [sflag:s4], $0x0  }
0x19: {  	s7 =	sld [smem:$0x3F98]  }
0x1a: {  	s8 =	sadd.s32 $0xFFFFE003, lr  }
0x1b: {  	s9 =	sadd.s32 $0xFFFFFEF7, lr;
	s5 =	simm.s32 $0xFFFFFFFF;
	p2 =	slt.u32 s8, $0xFFFFF086  }
0x1c: {  	p1 =	slt.u32 s9, $0xF7A;
	s5 =	simm.s32 @!p2 $0x0  }
0x1d: {  	s5 =	simm.s32 @p1 $0x1;
	p0 =	seq.s32 s7, s2  }
0x1e: {  	s7 =	smul.u32 @!p0 $0xF7A, s2;
	p2 =	seq.s32 @!p0 s5, $0x0  }
0x1f: {  	s9 =	smul.u32 $0xF7A, s1;
	s8 =	simm.s32 @!p0 $0x1BF5;
	p2 =	por !p2, p0  }
0x20: {  	[sflag:s8] =	ssyncset.s32 @!p0 $0xFFFFF086;
	s6 =	sadd.s32 @!p0 s3, s7;
	s7 =	simm.s32 @!p0 $0x108  }
0x21: {  	s3 =	sadd.s32 s3, s9;
	s6 =	sadd.s32 @!p0 $0x88, s6;
	s7 =	simm.s32 @p2 $0x1082  }
0x22: {  	[simem:s7], [sflag:s8] =	dma.local @!p0 [hbm:s6], $0xF7A  }
0x23: {  	s9 =	sor.u32 $0xD0000000, s2;
	s6 =	simm.s32 $0x108;
	_ =	swait.ge @!p0 [sflag:s8], $0x0  }
0x24: {  	s3 =	sadd.s32 $0x88, s3;
	s6 =	simm.s32 @!p1 $0x1082;
	[sflag:s4] =	ssyncset.s32 $0xFFFFF086  }
0x25: {  	[simem:s6], [sflag:s4] =	dma.local [hbm:s3], $0xF7A  }
0x26: {  	[smem:$0x3F98] =	sst s1;
	(tag) =	ssettag s2;
	_ =	strace s9  }
0x27: {  	s1 =	sld [smem:$0x3FA8]  }
0x28: {  	s2 =	sld [smem:$0x3FA9]  }
0x29: {  	s4 =	sld [smem:$0x3FAB]  }
0x2a: {  	p0 =	seq.s32 s5, $0x0;
	s5 =	sld [smem:$0x3FAC]  }
0x2b: {  	s6 =	sld [smem:$0x3FAD]  }
0x2c: {  	s7 =	sld [smem:$0x3FAE]  }
0x2d: {  	s3 =	simm.s32 $0x108;
	s8 =	sld [smem:$0x3FAF]  }
0x2e: {  	s3 =	simm.s32 @!p0 $0x1082;
	s9 =	sld [smem:$0x3FB0]  }
0x2f: {  	lr =	sadd.s32 s0, s3;
	s0 =	sld [smem:$0x3FA7]  }
0x30: {  	s3 =	sld [smem:$0x3FAA]  }
0x31: {  	[smem:$0x3FB3] =	sst s10  }
0x32: {  	s10 =	sld [smem:$0x3FB1];
	_ =	sdelay $0x3  }
0x33: {  	p0 =	seq.s32 s10, $0x1;
	s10 =	sld [smem:$0x3FB3];
	_ =	sdelay $0x3  }
0x34: {  	[smem:$0x3FB3] =	sst s10  }
0x35: {  	s10 =	sld [smem:$0x3FB2];
	_ =	sdelay $0x3  }
0x36: {  	p1 =	seq.s32 s10, $0x1;
	s10 =	sld [smem:$0x3FB3];
	_ =	sdelay $0x3  }
0x37: {  	[smem:$0x3FB3] =	sst s10  }
0x38: {  	s10 =	sld [smem:$0x3FB4]  }
0x39: {  	_ = 	snop;
	(pc) =	sbr.ind lr, $3  }
0x3a: {  	_ = 	snop  }
0x3b: {  	_ = 	snop  }
0x3c: {  	p2 =	seq.s32 s10, $0x1;
	s10 =	sld [smem:$0x3FB3]  }
0x3d: {  	_ =	shalt  }
0x3e: {  	_ =	shalt  }
0x3f: {  	_ =	shalt  }
0x40: {  	_ =	shalt  }
0x41: {  	_ =	shalt  }
0x42: {  	_ =	shalt  }
0x43: {  	_ =	shalt  }
0x44: {  	_ =	shalt  }
0x45: {  	_ =	shalt  }
0x46: {  	_ =	shalt  }
0x47: {  	_ =	shalt  }
0x48: {  	_ =	shalt  }
0x49: {  	_ =	shalt  }
0x4a: {  	_ =	shalt  }
0x4b: {  	_ =	shalt  }
0x4c: {  	_ =	shalt  }
0x4d: {  	_ =	shalt  }
0x4e: {  	_ =	shalt  }
0x4f: {  	_ =	shalt  }
0x50: {  	_ =	shalt  }
0x51: {  	_ =	shalt  }
0x52: {  	_ =	shalt  }
0x53: {  	_ =	shalt  }
0x54: {  	_ =	shalt  }
0x55: {  	_ =	shalt  }
0x56: {  	_ =	shalt  }
0x57: {  	_ =	shalt  }
0x58: {  	_ =	shalt  }
0x59: {  	_ =	shalt  }
0x5a: {  	_ =	shalt  }
0x5b: {  	_ =	shalt  }
0x5c: {  	_ =	shalt  }
0x5d: {  	_ =	shalt  }
0x5e: {  	_ =	shalt  }
0x5f: {  	_ =	shalt  }
0x60: {  	_ =	shalt  }
0x61: {  	_ =	shalt  }
0x62: {  	_ =	shalt  }
0x63: {  	_ =	shalt  }
0x64: {  	_ =	shalt  }
0x65: {  	_ =	shalt  }
0x66: {  	_ =	shalt  }
0x67: {  	_ =	shalt  }
0x68: {  	_ =	shalt  }
0x69: {  	_ =	shalt  }
0x6a: {  	_ =	shalt  }
0x6b: {  	_ =	shalt  }
0x6c: {  	_ =	shalt  }
0x6d: {  	_ =	shalt  }
0x6e: {  	_ =	shalt  }
0x6f: {  	_ =	shalt  }
0x70: {  	_ =	shalt  }
0x71: {  	_ =	shalt  }
0x72: {  	_ =	shalt  }
0x73: {  	_ =	shalt  }
0x74: {  	_ =	shalt  }
0x75: {  	_ =	shalt  }
0x76: {  	_ =	shalt  }
0x77: {  	_ =	shalt  }
0x78: {  	_ =	shalt  }
0x79: {  	_ =	shalt  }
0x7a: {  	_ =	shalt  }
0x7b: {  	_ =	shalt  }
0x7c: {  	_ =	shalt  }
0x7d: {  	_ =	shalt  }
0x7e: {  	_ =	shalt  }
0x7f: {  	_ =	shalt  }
0x80: {  	_ =	shalt  }
0x81: {  	_ =	shalt  }
0x82: {  	_ =	shalt  }
0x83: {  	_ =	shalt  }
0x84: {  	_ =	shalt  }
0x85: {  	_ =	shalt  }
0x86: {  	_ =	shalt  }
0x87: {  	_ =	shalt  }
.Lfunc_end0:
.L_simem_size_0:
called_computation_lowered:
.L_overlay_start_0:
0x88: {  	s2 =	sld [smem:$0x3FD9]  }
0x89: {  	s3 =	sld [smem:$0x3FFE];
	_ =	sdelay $0x1  }
0x8a: {  	s1 =	srdreg.scid  }
0x8b: {  	s0 =	sand.u32 $0x1, s1  }
0x8c: {  	s17 =	sshll.u32 s0, $0xA;
	s2 =	sadd.s32 s3, s2  }
0x8d: {  	s2 =	sadd.s32 s2, s17  }
0x8e: {  	[smem:$0x3FBF] =	sst s2  }
0x8f: {  	_ = 	snop  }
0x90: {  	s2 =	sld [smem:$0x3FD0];
	(tm) =	ssettm $0x1  }
0x91: {  	s18 =	sld [smem:$0x3FFB];
	_ =	sdelay $0x3  }
0x92: {  	_ =	strace s18  }
0x93: {  	s3 =	sld [smem:$0x3FFC];
	_ =	sdelay $0x3  }
0x94: {  	_ =	strace s3  }
0x95: {  	s3 =	sld [smem:$0x3FFD];
	_ =	sdelay $0x3  }
0x96: {  	_ =	strace s3  }
0x97: {  	_ =	strace $0x8FFFFFFF  }
0x98: {  	s19 =	sld [smem:$0x3FDB];
	_ =	sdelay $0x1  }
0x99: {  	s4 =	simm.s32 $_scs_section_size  }
0x9a: {  	s5 =	simm.s32 $_size__tile_overlayer_lowered;
	s6 =	simm.s32 $_tile_overlayer_lowered  }
0x9b: {  	s22 =	simm.s32 $0x1BFF;
	s21 =	sshll.u32 s6, $0x1;
	s3 =	sadd.s32 s4, s19  }
0x9c: {  	s7 =	simm.s32 $0x0;
	s20 =	sshll.u32 s5, $0x1;
	s5 =	sadd.s32 s21, s3  }
0x9d: {  	[timem:s7], [sflag:s22] =	dma.local [hbm:s5], s20  }
0x9e: {  	_ =	swait.ge [sflag:s22], s20  }
0x9f: {  	s4 =	ssub.s32 $0x0, s20;
	[sflag:s22] =	ssyncset.done $0x0  }
0xa0: {  	[sflag:s22] =	ssyncadd.s32 s4;
	_ =	sdelay $0x1  }
0xa1: {  	s23 =	simm.s32 $0x1B8B  }
0xa2: {  	_ =	swait.ge [sflag:s23], $0x1  }
0xa3: {  	[sflag:s23] =	ssyncset.done $0x0  }
0xa4: {  	s25 =	simm.s32 $0x1B8E;
	s24 =	sld [smem:$0x3FFE];
	[sflag:s23] =	ssyncadd.s32 $0xFFFFFFFF  }
0xa5: {  	s26 =	simm.s32 $execute0_lowered;
	[smem:$0x3FD2] =	sst s25  }
0xa6: {  	s5 =	sshll.u32 s26, $0x1;
	_ =	strace $0x80000046;
	[dreg:$0x1] =	wrdreg $0xFFFFFFFF  }
0xa7: {  	s28 =	simm.s32 $_size_execute0_lowered;
	s3 =	sadd.s32 s3, s5;
	[dreg:$0x0] =	wrdreg $0x0  }
0xa8: {  	s5 =	sshll.u32 s28, $0x1;
	[dreg:$0x2] =	wrdreg s3  }
0xa9: {  	[dreg:$0x3] =	wrdreg s5  }
0xaa: {  	[dreg:$0x4] =	wrdreg $0xC0  }
0xab: {  	_ =	task [dreg:s7], $0x5FFFF  }
0xac: {  	[dreg:$0x1] =	wrdreg $0xFFFFFFFF  }
0xad: {  	[dreg:$0x0] =	wrdreg $0x60  }
0xae: {  	[dreg:$0x2] =	wrdreg s24  }
0xaf: {  	[dreg:$0x3] =	wrdreg s2  }
0xb0: {  	[dreg:$0x4] =	wrdreg $0x114000  }
0xb1: {  	[dreg:$0x5] =	wrdreg $0x9  }
0xb2: {  	_ =	task.clear_ibuf [dreg:s7], $0x6FFFF;
	_ =	strace $0x90000046  }
0xb3: {  	s29 =	simm.s32 $0x9;
	_ =	strace $0x80000048  }
0xb4: {  	_ =	swait.ge [sflag:s29], $0x1  }
0xb5: {  	[sflag:s29] =	ssyncadd.s32 $0xFFFFFFFF  }
0xb6: {  	_ =	strace $0x90000048  }
0xb7: {  	_ =	sfence  }
0xb8: {  	s30 =	sld [smem:$0x0];
	_ =	sdelay $0x2  }
0xb9: {  	s31 =	sshll.u32 s1, $0xD;
	s1 =	sshrl.u32 s1, $0x2  }
0xba: {  	s3 =	sand.u32 $0x4000, s31;
	s1 =	sadd.s32 s1, s30  }
0xbb: {  	s0 =	sor.u32 s3, s0;
	s1 =	sshll.u32 s1, $0x11  }
0xbc: {  	s0 =	sor.u32 s1, s0  }
0xbd: {  	s0 =	sadd.s32 $0x8F2B, s0  }
0xbe: {  	[sflag:s0] =	ssyncadd.remote.s32 $0x1  }
0xbf: {  	_ =	sfence.sel $0xFFFF  }
0xc0: {  	[dreg:$0x0] =	wrdreg $0xFFFFFFFF;
	(pc) =	sbr.abs _section_cstart, $3  }
0xc1: {  	[dreg:$0x1] =	wrdreg $0xFFFFFFFF  }
0xc2: {  	_ =	task.clear_ibuf [dreg:s7], $0x2FFFF;
	_ =	strace $0x9FFFFFFF  }
0xc3: {  	(tm) =	ssettm $0x7FFFFFFF  }
tec
execute0_lowered:
.L_overlay_start_1:
0x0: {  	(tag) =	ssettag $0x1  }
0x1: {  	s8 =	rddreg [dreg:$0x0]  }
0x2: {  	s7 =	rddreg [dreg:$0x1]  }
0x3: {  	s2 =	rddreg [dreg:$0x2];
	s3 =	srdreg.scid  }
0x4: {  	s0 =	rddreg [dreg:$0x3];
	s1 =	stileid.u32;
	s15 =	simm.s32 $0x2710  }
0x5: {  	s16 =	simm.s32 $0x4E20;
	s17 =	simm.s32 $0x7530;
	s18 =	simm.s32 $0x11170  }
0x6: {  	s19 =	simm.s32 $0x11180;
	s20 =	simm.s32 $0x50;
	s21 =	simm.s32 $0xC350  }
0x7: {  	s22 =	simm.s32 $0xEA60;
	s25 =	simm.s32 $0x0;
	s9 =	sand.u32 $0x1, s3  }
0x8: {  	s3 =	simm.s32 $0x0;
	s10 =	smul.u32 $0x280, s1;
	s6 =	sadd.s32 $0x51000, s8  }
0x9: {  	s23 =	sshll.u32 s1, $0x6;
	s4 =	sshll.u32 s9, $0x4;
	[smem:$0x7FF] =	sst s3  }
0xa: {  	s11 =	smul.u32 $0x2800, s9;
	s9 =	ssub.s32 $0x2, s9;
	s23 =	sor.u32 $0x1C01, s23  }
0xb: {  	s5 =	sor.u32 s1, s4;
	_ =	strace $0x80000047;
	s4 =	sadd.s32 $0x50200, s8  }
0xc: {  	s31 =	sshrl.u32 s9, $0x1;
	s12 =	smul.u32 $0x2710, s5;
	s5 =	sadd.s32 $0x50800, s8  }
0xd: {  	s11 =	sadd.s32 s10, s11;
	s14 =	ssub.s32 s9, s31;
	s9 =	sadd.s32 s10, s2  }
0xe: {  	s11 =	sshrl.u32 s11, $0x3;
	s24 =	sshrl.u32 s9, $0x3;
	s12 =	sshrl.u32 s12, $0x3  }
0xf: {  	s13 =	sadd.s32 s11, s8;
	s7 =	sadd.s32 s7, s12;
	s12 =	sadd.s32 s12, s8  }
0x10: {  	s8 =	sadd.s32 $0x9C40, s7;
	s10 =	sadd.s32 $0x51C00, s12;
	s11 =	sadd.s32 $0x5BA00, s12  }
0x11: {  	v0 =	vimm.f32 $0.0e+00;
	s12 =	sadd.s32 $0x51200, s13;
	s13 =	smax.u32 s14, $0x1;
	s14 =	simm.s32 $0x1  }
.LBB2_1:
0x12: {  	[tilespmem:s3], [sflag:$0x1] =	stream.linear.gather [hbm4b:s4+s3], $0x2710, $0x38;
	[tilespmem:$0x11680] =	vst v63  }
0x13: {  	_ =	swait.ge [sflag:s14], $0x2710  }
0x14: {  	[sflag:s14] =	ssyncset.done $0x0  }
0x15: {  	[sflag:s14] =	ssyncadd.s32 $0xFFFFD8F0  }
0x16: {  	[tilespmem:s15], [sflag:$0x1] =	stream.linear.gather [hbm4b:s5+s3], $0x2710, $0x38;
	[tilespmem:$0x11680] =	vst v63  }
0x17: {  	_ =	swait.ge [sflag:s14], $0x2710  }
0x18: {  	[sflag:s14] =	ssyncset.done $0x0  }
0x19: {  	[sflag:s14] =	ssyncadd.s32 $0xFFFFD8F0  }
0x1a: {  	[tilespmem:s16], [sflag:$0x1] =	stream.linear.gather [hbm4b:s7+s3], $0x2710, $0x38;
	[tilespmem:$0x11680] =	vst v63  }
0x1b: {  	_ =	swait.ge [sflag:s14], $0x2710  }
0x1c: {  	[sflag:s14] =	ssyncset.done $0x0  }
0x1d: {  	[sflag:s14] =	ssyncadd.s32 $0xFFFFD8F0  }
0x1e: {  	[tilespmem:s17], [sflag:$0x1] =	stream.linear.gather [hbm4b:s8+s3], $0x2710, $0x38;
	[tilespmem:$0x11680] =	vst v63  }
0x1f: {  	_ =	swait.ge [sflag:s14], $0x2710  }
0x20: {  	[sflag:s14] =	ssyncset.done $0x0  }
0x21: {  	[sflag:s14] =	ssyncadd.s32 $0xFFFFD8F0  }
0x22: {  	[tilespmem:s18], [sflag:$0x1] =	stream.linear.gather [hbm4b:s6+s3], $0x10, $0x38;
	[tilespmem:$0x11680] =	vst v63  }
0x23: {  	_ =	swait.ge [sflag:s14], $0x10  }
0x24: {  	[sflag:s14] =	ssyncset.done $0x0  }
0x25: {  	[sflag:s14] =	ssyncadd.s32 $0xFFFFFFF0  }
0x26: {  	[tilespmem:$0x11180] =	vst v0  }
0x27: {  	[tilespmem:$0x11190] =	vst v0  }
0x28: {  	[tilespmem:$0x111A0] =	vst v0  }
0x29: {  	[tilespmem:$0x111B0] =	vst v0  }
0x2a: {  	[tilespmem:$0x111C0] =	vst v0  }
0x2b: {  	[tilespmem:$0x111D0] =	vst v0  }
0x2c: {  	[tilespmem:$0x111E0] =	vst v0  }
0x2d: {  	[tilespmem:$0x111F0] =	vst v0  }
0x2e: {  	[tilespmem:$0x11200] =	vst v0  }
0x2f: {  	[tilespmem:$0x11210] =	vst v0  }
0x30: {  	[tilespmem:$0x11220] =	vst v0  }
0x31: {  	[tilespmem:$0x11230] =	vst v0  }
0x32: {  	[tilespmem:$0x11240] =	vst v0  }
0x33: {  	[tilespmem:$0x11250] =	vst v0  }
0x34: {  	[tilespmem:$0x11260] =	vst v0  }
0x35: {  	[tilespmem:$0x11270] =	vst v0  }
0x36: {  	[tilespmem:$0x11280] =	vst v0  }
0x37: {  	[tilespmem:$0x11290] =	vst v0  }
0x38: {  	[tilespmem:$0x112A0] =	vst v0  }
0x39: {  	[tilespmem:$0x112B0] =	vst v0  }
0x3a: {  	[tilespmem:$0x112C0] =	vst v0  }
0x3b: {  	[tilespmem:$0x112D0] =	vst v0  }
0x3c: {  	[tilespmem:$0x112E0] =	vst v0  }
0x3d: {  	[tilespmem:$0x112F0] =	vst v0  }
0x3e: {  	[tilespmem:$0x11300] =	vst v0  }
0x3f: {  	[tilespmem:$0x11310] =	vst v0  }
0x40: {  	[tilespmem:$0x11320] =	vst v0  }
0x41: {  	[tilespmem:$0x11330] =	vst v0  }
0x42: {  	[tilespmem:$0x11340] =	vst v0  }
0x43: {  	[tilespmem:$0x11350] =	vst v0  }
0x44: {  	[tilespmem:$0x11360] =	vst v0  }
0x45: {  	[tilespmem:$0x11370] =	vst v0  }
0x46: {  	[tilespmem:$0x11380] =	vst v0  }
0x47: {  	[tilespmem:$0x11390] =	vst v0  }
0x48: {  	[tilespmem:$0x113A0] =	vst v0  }
0x49: {  	[tilespmem:$0x113B0] =	vst v0  }
0x4a: {  	[tilespmem:$0x113C0] =	vst v0  }
0x4b: {  	[tilespmem:$0x113D0] =	vst v0  }
0x4c: {  	[tilespmem:$0x113E0] =	vst v0  }
0x4d: {  	[tilespmem:$0x113F0] =	vst v0  }
0x4e: {  	[spmem:s9] =	stream.linear.scatter [tilespmem:s19], [sflag:$0x1], $0x280, $0x38;
	[tilespmem:$0x11680] =	vst v63  }
0x4f: {  	_ =	swait.ge [sflag:s14], $0x280  }
0x50: {  	[sflag:s14] =	ssyncset.done $0x0  }
0x51: {  	[sflag:s14] =	ssyncadd.s32 $0xFFFFFD80  }
0x52: {  	s26 =	simm.s32 $0x0;
	[bflag:$0x0] =	sbarrier.arrive $0xFFFF  }
0x53: {  	v2 =	vld [tilespmem:s26+$0x4E20]  }
0x54: {  	v3 =	vld [tilespmem:s26+$0x7530];
	_ =	sdelay $0x6  }
0x55: {  	v4 =	vld.idx.msk [tilespmem:v2+s3+$0x0], $0xffff  }
0x56: {  	v5 =	vld.idx.msk [tilespmem:v3+s15+$0x0], $0xffff;
	_ =	sdelay $0x4  }
0x57: {  	v1 =	vld [tilespmem:$0x11170];
	v4 =	vadd.f32 v5, v4;
	_ =	sdelay $0x1  }
0x58: {  	v5 =	vmul.f32 $2.000000030e-01, v4  }
0x59: {  	vm0 =	vlt.f32 v4, $0.0e+00  }
0x5a: {  	v4 =	vsel vm0, v5, v4  }
0x5b: {  	v4 =	vsub.f32 v4, v1;
	_ =	sdelay $0x1  }
0x5c: {  	v4 =	vmul.f32 $1.442695020e+00, v4;
	_ =	sdelay $0x1  }
0x5d: {  	(erf) = vpow2.f32 v4;
	_ =	sdelay $0x2  }
0x5e: {  	v51 =	vld [tilespmem:s26+$0x4E30]  }
0x5f: {  	v52 =	vld [tilespmem:s26+$0x7540]  }
0x60: {  	v7 =	vadd.s32 $0x2710, v2  }
0x61: {  	v6 =	vadd.s32 $0x2710, v3;
	v2 =	vsel vm0, v7, v2  }
0x62: {  	v3 =	vsel vm0, v6, v3  }
0x63: {  	[tilespmem:s26+$0xEA60] =	vst v3  }
0x64: {  	[tilespmem:s26+$0xC350] =	vst v2;
	v2 =	vpop (erf)  }
0x65: {  	[tilespmem:s26+$0x9C40] =	vst v2  }
0x66: {  	v2 =	vld.idx.msk [tilespmem:v51+s3+$0x0], $0xffff  }
0x67: {  	v3 =	vld.idx.msk [tilespmem:v52+s15+$0x0], $0xffff;
	_ =	sdelay $0x4  }
0x68: {  	v2 =	vadd.f32 v3, v2;
	_ =	sdelay $0x1  }
0x69: {  	v3 =	vmul.f32 $2.000000030e-01, v2  }
0x6a: {  	vm12 =	vlt.f32 v2, $0.0e+00  }
0x6b: {  	v2 =	vsel vm12, v3, v2  }
0x6c: {  	v2 =	vsub.f32 v2, v1;
	_ =	sdelay $0x1  }
0x6d: {  	v2 =	vmul.f32 $1.442695020e+00, v2;
	_ =	sdelay $0x1  }
0x6e: {  	(erf) = vpow2.f32 v2;
	_ =	sdelay $0x2  }
0x6f: {  	v2 =	vld [tilespmem:s26+$0x4E40]  }
0x70: {  	v3 =	vld [tilespmem:s26+$0x7550];
	_ =	sdelay $0x1  }
0x71: {  	v53 =	vadd.s32 $0x2710, v52  }
0x72: {  	v54 =	vadd.s32 $0x2710, v51;
	v5 =	vsel vm12, v53, v52  }
0x73: {  	v4 =	vsel vm12, v54, v51;
	[tilespmem:s26+$0xEA70] =	vst v5  }
0x74: {  	[tilespmem:s26+$0xC360] =	vst v4;
	v55 =	vpop (erf)  }
0x75: {  	[tilespmem:s26+$0x9C50] =	vst v55  }
0x76: {  	v4 =	vld.idx.msk [tilespmem:v2+s3+$0x0], $0xffff  }
0x77: {  	v5 =	vld.idx.msk [tilespmem:v3+s15+$0x0], $0xffff;
	_ =	sdelay $0x4  }
0x78: {  	v4 =	vadd.f32 v5, v4;
	_ =	sdelay $0x1  }
0x79: {  	v5 =	vmul.f32 $2.000000030e-01, v4  }
0x7a: {  	vm13 =	vlt.f32 v4, $0.0e+00  }
0x7b: {  	v4 =	vsel vm13, v5, v4  }
0x7c: {  	v4 =	vsub.f32 v4, v1;
	_ =	sdelay $0x1  }
0x7d: {  	v4 =	vmul.f32 $1.442695020e+00, v4;
	_ =	sdelay $0x1  }
0x7e: {  	(erf) = vpow2.f32 v4  }
0x7f: {  	v56 =	vadd.s32 $0x2710, v2  }
0x80: {  	v57 =	vadd.s32 $0x2710, v3;
	v2 =	vsel vm13, v56, v2  }
0x81: {  	v3 =	vsel vm13, v57, v3;
	[tilespmem:s26+$0xC370] =	vst v2;
	v2 =	vld [tilespmem:s26+$0x4E50]  }
0x82: {  	[tilespmem:s26+$0xEA80] =	vst v3;
	v3 =	vld [tilespmem:s26+$0x7560];
	_ =	sdelay $0x4  }
0x83: {  	v4 =	vpop (erf)  }
0x84: {  	[tilespmem:s26+$0x9C60] =	vst v4  }
0x85: {  	v4 =	vld.idx.msk [tilespmem:v2+s3+$0x0], $0xffff  }
0x86: {  	v58 =	vld.idx.msk [tilespmem:v3+s15+$0x0], $0xffff;
	_ =	sdelay $0x4  }
0x87: {  	v4 =	vadd.f32 v58, v4;
	_ =	sdelay $0x1  }
0x88: {  	v5 =	vmul.f32 $2.000000030e-01, v4  }
0x89: {  	vm14 =	vlt.f32 v4, $0.0e+00  }
0x8a: {  	v4 =	vsel vm14, v5, v4  }
0x8b: {  	v4 =	vsub.f32 v4, v1;
	_ =	sdelay $0x1  }
0x8c: {  	v4 =	vmul.f32 $1.442695020e+00, v4;
	_ =	sdelay $0x1  }
0x8d: {  	(erf) = vpow2.f32 v4  }
0x8e: {  	v59 =	vadd.s32 $0x2710, v2  }
0x8f: {  	v60 =	vadd.s32 $0x2710, v3;
	v2 =	vsel vm14, v59, v2  }
0x90: {  	v3 =	vsel vm14, v60, v3;
	[tilespmem:s26+$0xC380] =	vst v2;
	v2 =	vld [tilespmem:s26+$0x4E60]  }
0x91: {  	[tilespmem:s26+$0xEA90] =	vst v3;
	v3 =	vld [tilespmem:s26+$0x7570];
	_ =	sdelay $0x4  }
0x92: {  	v4 =	vpop (erf)  }
0x93: {  	[tilespmem:s26+$0x9C70] =	vst v4  }
0x94: {  	v4 =	vld.idx.msk [tilespmem:v2+s3+$0x0], $0xffff  }
0x95: {  	v61 =	vld.idx.msk [tilespmem:v3+s15+$0x0], $0xffff;
	_ =	sdelay $0x4  }
0x96: {  	v4 =	vadd.f32 v61, v4;
	_ =	sdelay $0x1  }
0x97: {  	v5 =	vmul.f32 $2.000000030e-01, v4  }
0x98: {  	vm15 =	vlt.f32 v4, $0.0e+00  }
0x99: {  	v4 =	vsel vm15, v5, v4  }
0x9a: {  	v4 =	vsub.f32 v4, v1;
	_ =	sdelay $0x1  }
0x9b: {  	v4 =	vmul.f32 $1.442695020e+00, v4;
	_ =	sdelay $0x1  }
0x9c: {  	(erf) = vpow2.f32 v4;
	_ =	sdelay $0x1  }
0x9d: {  	v62 =	vadd.s32 $0x2710, v2  }
0x9e: {  	v63 =	vadd.s32 $0x2710, v3;
	v2 =	vsel vm15, v62, v2  }
0x9f: {  	v3 =	vsel vm15, v63, v3;
	[tilespmem:s26+$0xC390] =	vst v2  }
0xa0: {  	s28 =	simm.s32 $0x140;
	s29 =	simm.s32 $0x7530;
	s30 =	simm.s32 $0x9C40;
	[tilespmem:s26+$0xEAA0] =	vst v3  }
.LBB2_2:
0xa1: {  	_ =	sdelay $0x2  }
0xa2: {  	p0 =	sne.s32 s28, $0x9B00;
	s31 =	smov.u32 s28;
	s28 =	sadd.s32 $0x140, s28;
	v2 =	vpop (erf)  }
0xa3: {  	[tilespmem:s26+$0x9C80] =	vst v2  }
0xa4: {  	[spmem:s2] =	stream.indirect.scatter.add.f32 [tilespmem:s30], [sflag:$0x1], $0x1, s29, s20, $0xb8;
	[tilespmem:$0x11680] =	vst v63  }
0xa5: {  	_ =	swait.ge [sflag:s14], $0x50  }
0xa6: {  	[sflag:s14] =	ssyncset.done $0x0  }
0xa7: {  	s26 =	sshra.s32 s31, $0x2;
	[sflag:s14] =	ssyncadd.s32 $0xFFFFFFB0  }
0xa8: {  	v2 =	vld [tilespmem:s26+$0x4E20]  }
0xa9: {  	v3 =	vld [tilespmem:s26+$0x7530];
	_ =	sdelay $0x6  }
0xaa: {  	v4 =	vld.idx.msk [tilespmem:v2+s3+$0x0], $0xffff  }
0xab: {  	v5 =	vld.idx.msk [tilespmem:v3+s15+$0x0], $0xffff;
	_ =	sdelay $0x5  }
0xac: {  	v4 =	vadd.f32 v5, v4  }
0xad: {  	v5 =	vadd.s32 $0x2710, v3  }
0xae: {  	v6 =	vadd.s32 $0x2710, v2;
	vm0 =	vlt.f32 v4, $0.0e+00;
	v7 =	vmul.f32 $2.000000030e-01, v4  }
0xaf: {  	v2 =	vsel vm0, v6, v2;
	v3 =	vsel vm0, v5, v3  }
0xb0: {  	v4 =	vsel vm0, v7, v4  }
0xb1: {  	v4 =	vsub.f32 v4, v1;
	_ =	sdelay $0x1  }
0xb2: {  	v4 =	vmul.f32 $1.442695020e+00, v4;
	_ =	sdelay $0x1  }
0xb3: {  	(erf) = vpow2.f32 v4;
	_ =	sdelay $0x2  }
0xb4: {  	v4 =	vld [tilespmem:s26+$0x4E30]  }
0xb5: {  	v5 =	vld [tilespmem:s26+$0x7540];
	_ =	sdelay $0x3  }
0xb6: {  	[tilespmem:s26+$0xEA60] =	vst v3  }
0xb7: {  	[tilespmem:s26+$0xC350] =	vst v2;
	v2 =	vpop (erf)  }
0xb8: {  	[tilespmem:s26+$0x9C40] =	vst v2  }
0xb9: {  	v2 =	vld.idx.msk [tilespmem:v4+s3+$0x0], $0xffff  }
0xba: {  	v3 =	vld.idx.msk [tilespmem:v5+s15+$0x0], $0xffff;
	_ =	sdelay $0x5  }
0xbb: {  	v2 =	vadd.f32 v3, v2  }
0xbc: {  	v3 =	vadd.s32 $0x2710, v4  }
0xbd: {  	v6 =	vadd.s32 $0x2710, v5;
	vm0 =	vlt.f32 v2, $0.0e+00;
	v7 =	vmul.f32 $2.000000030e-01, v2  }
0xbe: {  	v3 =	vsel vm0, v3, v4;
	v4 =	vsel vm0, v6, v5  }
0xbf: {  	v2 =	vsel vm0, v7, v2  }
0xc0: {  	v2 =	vsub.f32 v2, v1;
	_ =	sdelay $0x1  }
0xc1: {  	v2 =	vmul.f32 $1.442695020e+00, v2;
	_ =	sdelay $0x1  }
0xc2: {  	(erf) = vpow2.f32 v2;
	_ =	sdelay $0x2  }
0xc3: {  	v2 =	vld [tilespmem:s26+$0x4E40]  }
0xc4: {  	v5 =	vld [tilespmem:s26+$0x7550];
	_ =	sdelay $0x3  }
0xc5: {  	[tilespmem:s26+$0xEA70] =	vst v4  }
0xc6: {  	[tilespmem:s26+$0xC360] =	vst v3;
	v3 =	vpop (erf)  }
0xc7: {  	[tilespmem:s26+$0x9C50] =	vst v3  }
0xc8: {  	v3 =	vld.idx.msk [tilespmem:v2+s3+$0x0], $0xffff  }
0xc9: {  	v4 =	vld.idx.msk [tilespmem:v5+s15+$0x0], $0xffff;
	_ =	sdelay $0x5  }
0xca: {  	v3 =	vadd.f32 v4, v3  }
0xcb: {  	v4 =	vadd.s32 $0x2710, v5  }
0xcc: {  	v6 =	vadd.s32 $0x2710, v2;
	vm0 =	vlt.f32 v3, $0.0e+00;
	v7 =	vmul.f32 $2.000000030e-01, v3  }
0xcd: {  	v2 =	vsel vm0, v6, v2;
	v4 =	vsel vm0, v4, v5  }
0xce: {  	[tilespmem:s26+$0xC370] =	vst v2;
	v2 =	vsel vm0, v7, v3  }
0xcf: {  	[tilespmem:s26+$0xEA80] =	vst v4;
	v2 =	vsub.f32 v2, v1;
	_ =	sdelay $0x1  }
0xd0: {  	v2 =	vmul.f32 $1.442695020e+00, v2;
	_ =	sdelay $0x1  }
0xd1: {  	(erf) = vpow2.f32 v2;
	_ =	sdelay $0x2  }
0xd2: {  	v2 =	vld [tilespmem:s26+$0x4E50]  }
0xd3: {  	v3 =	vld [tilespmem:s26+$0x7560];
	_ =	sdelay $0x4  }
0xd4: {  	v4 =	vpop (erf)  }
0xd5: {  	[tilespmem:s26+$0x9C60] =	vst v4  }
0xd6: {  	v4 =	vld.idx.msk [tilespmem:v2+s3+$0x0], $0xffff  }
0xd7: {  	v5 =	vld.idx.msk [tilespmem:v3+s15+$0x0], $0xffff;
	_ =	sdelay $0x5  }
0xd8: {  	v4 =	vadd.f32 v5, v4  }
0xd9: {  	v5 =	vadd.s32 $0x2710, v3  }
0xda: {  	v6 =	vadd.s32 $0x2710, v2;
	vm0 =	vlt.f32 v4, $0.0e+00;
	v7 =	vmul.f32 $2.000000030e-01, v4  }
0xdb: {  	v2 =	vsel vm0, v6, v2;
	v3 =	vsel vm0, v5, v3  }
0xdc: {  	[tilespmem:s26+$0xC380] =	vst v2;
	v2 =	vsel vm0, v7, v4  }
0xdd: {  	[tilespmem:s26+$0xEA90] =	vst v3;
	v2 =	vsub.f32 v2, v1;
	_ =	sdelay $0x1  }
0xde: {  	v2 =	vmul.f32 $1.442695020e+00, v2;
	_ =	sdelay $0x1  }
0xdf: {  	(erf) = vpow2.f32 v2;
	_ =	sdelay $0x1  }
0xe0: {  	v2 =	vld [tilespmem:s26+$0x7570]  }
0xe1: {  	v3 =	vld [tilespmem:s26+$0x4E60];
	_ =	sdelay $0x5  }
0xe2: {  	v4 =	vpop (erf)  }
0xe3: {  	[tilespmem:s26+$0x9C70] =	vst v4  }
0xe4: {  	v4 =	vld.idx.msk [tilespmem:v3+s3+$0x0], $0xffff  }
0xe5: {  	v5 =	vld.idx.msk [tilespmem:v2+s15+$0x0], $0xffff;
	_ =	sdelay $0x5  }
0xe6: {  	v4 =	vadd.f32 v5, v4  }
0xe7: {  	v5 =	vadd.s32 $0x2710, v2  }
0xe8: {  	v6 =	vadd.s32 $0x2710, v3;
	vm0 =	vlt.f32 v4, $0.0e+00;
	v7 =	vmul.f32 $2.000000030e-01, v4  }
0xe9: {  	v3 =	vsel vm0, v6, v3;
	v2 =	vsel vm0, v5, v2  }
0xea: {  	[tilespmem:s26+$0xC390] =	vst v3;
	v3 =	vsel vm0, v7, v4  }
0xeb: {  	[tilespmem:s26+$0xEAA0] =	vst v2;
	v2 =	vsub.f32 v3, v1;
	_ =	sdelay $0x1  }
0xec: {  	v2 =	vmul.f32 $1.442695020e+00, v2;
	_ =	sdelay $0x1  }
0xed: {  	(erf) = vpow2.f32 v2  }
.Ltmp0:
0xee: {  	(pc) =	sbr.rel @p0 .LBB2_2-.Ltmp0, $2  }
0xef: {  	_ =	sdelay $0x2  }
0xf0: {  	s29 =	sadd.s32 $0x7530, s26;
	s30 =	sadd.s32 $0x9C40, s26  }
0xf1: {  	_ =	sdelay $0x2  }
0xf2: {  	v1 =	vpop (erf)  }
0xf3: {  	[tilespmem:s26+$0x9C80] =	vst v1  }
0xf4: {  	[spmem:s2] =	stream.indirect.scatter.add.f32 [tilespmem:s30], [sflag:$0x1], $0x1, s29, s20, $0xb8;
	[tilespmem:$0x11680] =	vst v63  }
0xf5: {  	_ =	swait.ge [sflag:s14], $0x50  }
0xf6: {  	[sflag:s14] =	ssyncset.done $0x0  }
0xf7: {  	[sflag:s14] =	ssyncadd.s32 $0xFFFFFFB0  }
0xf8: {  	[hbm4b:s10+s3] =	stream.linear.scatter [tilespmem:s21], [sflag:$0x1], $0x2710, $0x38;
	[tilespmem:$0x11680] =	vst v63  }
0xf9: {  	_ =	swait.ge [sflag:s14], $0x2710  }
0xfa: {  	[sflag:s14] =	ssyncset.done $0x0  }
0xfb: {  	[sflag:s14] =	ssyncadd.s32 $0xFFFFD8F0  }
0xfc: {  	[hbm4b:s11+s3] =	stream.linear.scatter [tilespmem:s22], [sflag:$0x1], $0x2710, $0x38;
	[tilespmem:$0x11680] =	vst v63  }
0xfd: {  	_ =	swait.ge [sflag:s14], $0x2710  }
0xfe: {  	s25 =	sadd.s32 $0x1, s25;
	[sflag:s14] =	ssyncset.done $0x0  }
0xff: {  	p0 =	sne.s32 s25, s13;
	[sflag:s14] =	ssyncadd.s32 $0xFFFFD8F0  }
.Ltmp1:
0x100: {  	[bflag:$0x0] =	sbarrier.arrive $0xFFFF;
	(pc) =	sbr.rel @p0 .LBB2_1-.Ltmp1, $4  }
0x101: {  	[hbm:s12], [sflag:s23] =	dma.local [spmem:s24], $0x50  }
0x102: {  	_ =	swait.ge [sflag:s14], $0x50  }
0x103: {  	[sflag:s14] =	ssyncset.done $0x0  }
0x104: {  	[sflag:s14] =	ssyncadd.s32 $0xFFFFFFB0  }
0x105: {  	_ =	sfence.sel $0x180000  }
0x106: {  	[bflag:$0x0] =	sbarrier.arrive $0xFFFF  }
0x107: {  	p0 =	sne.s32 s1, $0x0;
	_ =	strace $0x90000047  }
0x108: {  	s0 =	sadd.s32 @!p0 $0x100000, s0;
	[bflag:$0x2] =	sbarrier.arrive $0xFFFF  }
0x109: {  	[sflag:s0] =	ssyncadd.tile.s32 @!p0 $0x1;
	_ =	shalt  }
.Lfunc_end2:
_tile_overlayer_lowered:
.L_overlay_start_2:
0x10a: {  	(tag) =	ssettag $0x2  }
0x10b: {  	s0 =	rddreg [dreg:$0x0];
	s2 =	stileid.u32  }
0x10c: {  	s1 =	rddreg [dreg:$0x1];
	p0 =	sne.s32 s2, $0x0  }
0x10d: {  	s3 =	rddreg [dreg:$0x2];
	[bflag:$0x3] =	sbarrier.arrive $0xFFFF;
	s2 =	simm.s32 @!p0 $0x1C01  }
0x10e: {  	[timem:s3], [sflag:s2] =	dma.local @!p0 [hbm:s0], s1  }
0x10f: {  	s0 =	simm.s32 @!p0 $0x1  }
0x110: {  	_ =	swait.ge @!p0 [sflag:s0], s1  }
0x111: {  	s1 =	ssub.s32 @!p0 $0x0, s1;
	[sflag:s0] =	ssyncset.done @!p0 $0x0  }
0x112: {  	[sflag:s0] =	ssyncadd.s32 @!p0 s1  }
0x113: {  	[bflag:$0x3] =	sbarrier.arrive $0xFFFF  }
0x114: {  	_ =	shalt  }

</sc_bundles>
